<compile_context>
chip_gen: v7x
topology: tpu7x:2x2x1
jax: 0.10.2.dev20260603
libtpu: 0.0.44.dev20260713+nightly
codegen_flags: <defaults>
</compile_context>

<pallas_src>
import functools

import jax
import jax.numpy as jnp
import numpy as np
from jax import lax
from jax.experimental import pallas as pl
from jax.experimental.pallas import tpu as pltpu
from jax.experimental.pallas import tpu_sc as plsc

_N = 16
_CLEAN = 8
_D = 128
_B = 16384
_S = _B // _N
_SBLK = 128
_GRID = _S // _SBLK

_NW = 32
_RPW = (_S * _CLEAN) // _NW
_CH = 128
_NCH = _RPW // _CH
_LANES = 16


_NP = _N * _CLEAN


def _score_body(x_ref, out_ref):
    r_io = lax.broadcasted_iota(jnp.int32, (_N, _NP), 0)
    p_io = lax.broadcasted_iota(jnp.int32, (_N, _NP), 1)
    s_col = p_io // _N + 1
    k_col = p_io % _N
    j_col = (k_col + s_col) % _N
    ma = (r_io == k_col).astype(jnp.float32)
    mb = (r_io == j_col).astype(jnp.float32)
    q_io = lax.broadcasted_iota(jnp.int32, (1, _NP), 1)
    cm = (q_io % _N) < ((q_io % _N + q_io // _N + 1) % _N)

    xb = x_ref[...]
    xs = xb.reshape(_SBLK, _N, _D)
    sim = lax.dot_general(
        xs, xs, (((2,), (2,)), ((0,), (0,))),
        preferred_element_type=jnp.float32)
    simf = sim.reshape(_SBLK * _N, _N)
    a = jnp.dot(simf, ma, precision=lax.Precision.HIGHEST,
                preferred_element_type=jnp.float32)
    b = jnp.dot(simf, mb, precision=lax.Precision.HIGHEST,
                preferred_element_type=jnp.float32)
    ind = (a < b) | ((a == b) & cm)
    part = jnp.sum(ind.astype(jnp.int32), axis=0)

    @pl.when(pl.program_id(0) == 0)
    def _():
        out_ref[...] = jnp.zeros_like(out_ref)

    out_ref[...] += part[None, :]


def _scores(x):
    out = pl.pallas_call(
        _score_body,
        grid=(_GRID,),
        in_specs=[pl.BlockSpec((_SBLK * _N, _D), lambda i: (i, 0))],
        out_specs=pl.BlockSpec((1, _NP), lambda i: (0, 0)),
        out_shape=jax.ShapeDtypeStruct((1, _NP), jnp.int32),
    )(x)
    return out.reshape(_NP)


def _make_select_gather():
    mesh = plsc.VectorSubcoreMesh(core_axis_name="c", subcore_axis_name="s")

    @functools.partial(
        pl.kernel, mesh=mesh,
        compiler_params=pltpu.CompilerParams(needs_layout_passes=False),
        out_type=jax.ShapeDtypeStruct((_S * _CLEAN, _D), jnp.float32),
        scratch_types=[
            pltpu.VMEM((_NP,), jnp.int32),
            pltpu.VMEM((_N,), jnp.int32),
            pltpu.VMEM((_N,), jnp.int32),
            pltpu.VMEM((_NCH, _CH), jnp.int32),
            pltpu.VMEM((_RPW, _D), jnp.float32),
            pltpu.SemaphoreType.DMA,
        ],
    )
    def select_gather(x_hbm, scores_hbm, out_hbm, sc_v, key_v, sel_v, idx_v,
                      rows_v, sem):
        wid = lax.axis_index("s") * 2 + lax.axis_index("c")
        base = wid * _RPW
        pltpu.sync_copy(scores_hbm, sc_v)
        lane = lax.iota(jnp.int32, _LANES)
        score = jnp.zeros((_LANES,), jnp.int32)
        for s in range(1, _CLEAN + 1):
            p1 = lane + (s - 1) * _N
            v1 = plsc.load_gather(sc_v, [p1])
            k2 = jnp.where(lane >= s, lane - s, lane + _N - s)
            p2 = k2 + (s - 1) * _N
            v2 = plsc.load_gather(sc_v, [p2])
            if s < _CLEAN:
                score += (_B - v1) + v2
            else:
                score += jnp.where(lane < _CLEAN, _B - v1, 0)
                score += jnp.where(k2 < _CLEAN, v2, 0)
        key = score * _N + (_N - 1 - lane)
        key_v[...] = key
        pos = jnp.zeros((_LANES,), jnp.int32)
        for m in range(1, _N):
            idx = lane + m
            idx = jnp.where(idx >= _N, idx - _N, idx)
            km = plsc.load_gather(key_v, [idx])
            pos += (km > key).astype(jnp.int32)
        plsc.store_scatter(sel_v, [pos], lane)
        for i in range(_RPW // _LANES):
            t = base + i * _LANES + lane
            c = jnp.bitwise_and(t, _CLEAN - 1)
            j = lax.shift_right_logical(t, 3)
            src = j * _N + plsc.load_gather(sel_v, [c])
            off = i * _LANES
            idx_v[off // _CH, pl.ds(off % _CH, _LANES)] = src
        copies = [
            pltpu.async_copy(x_hbm.at[idx_v.at[ci]],
                             rows_v.at[pl.ds(ci * _CH, _CH)], sem)
            for ci in range(_NCH)
        ]
        for cp in copies:
            cp.wait()
        pltpu.sync_copy(rows_v, out_hbm.at[pl.ds(base, _RPW)])

    return select_gather


@functools.cache
def _select_gather_fn():
    return _make_select_gather()


def kernel(x):
    scores = _scores(x)
    return _select_gather_fn()(x, scores)

# --- scband reference (transcript-rebuilt; emitter-appended) ---
"""Pipeline reference for scband-clean-select-29635274342934 (READ-ONLY COPY).

The authoritative reference and input builder live on the scoring server;
editing this copy changes nothing except your own understanding.
"""

import jax, jax.numpy as jnp
import numpy as np

NUM_INSTANCES = 16
ETA = 0.5
CLEAN = int((1 - ETA) * NUM_INSTANCES)  # 8
B = 16384
D = 128


def setup_inputs(seed: int = 0) -> dict:
    key = jax.random.key(seed)
    x = jax.random.normal(key, (B, D), dtype=jnp.float32)
    return {"x": x}


def reference(x):
    b = x.shape[0]
    num_split = b // NUM_INSTANCES
    split_data = x.reshape(num_split, NUM_INSTANCES, -1)
    # sim[j] = split_data[j] @ split_data[j].T  -> [S, N, N]
    sim = jnp.einsum('bnd,bmd->bnm', split_data, split_data)
    weight = jnp.arange(NUM_INSTANCES, dtype=jnp.float32)
    # per-row ascending sort of similarities; scatter rank-weights back:
    # mask[j, r, indices[j, r, c]] = weight[c]
    indices = jnp.argsort(sim, axis=-1)  # [S, N, N]
    mask = jnp.zeros_like(sim).at[
        jnp.arange(num_split)[:, None, None],
        jnp.arange(NUM_INSTANCES)[None, :, None],
        indices,
    ].set(jnp.broadcast_to(weight[None, None, :], sim.shape))
    # torch loop accumulates the per-split scattered mask over ALL splits j
    # for every i (mask_i is identical for each i), then sorts descending.
    mask_i = mask.sum(axis=(0, 1))  # [N]
    image_indices = jnp.argsort(-mask_i)[:CLEAN]  # top-`clean` instances
    # clean_data = cat_i split_data[i][image_indices]
    clean_data = split_data[:, image_indices, :].reshape(num_split * CLEAN, x.shape[-1])
    return clean_data

if __name__ == "__main__":
    import jax
    _d = setup_inputs()
    print(jax.jit(kernel)(*tuple(_d.values())))

</pallas_src>

<mosaic_0001>
#map = affine_map<(d0, d1) -> (0, 0)>
#map1 = affine_map<(d0, d1) -> (0)>
module attributes {stable_mosaic.version = 14 : i64} {
  func.func @select_gather(%arg0: i32, %arg1: i32, %arg2: memref<16384x128xf32, #tpu.memory_space<hbm>>, %arg3: memref<128xi32, #tpu.memory_space<hbm>>, %arg4: memref<8192x128xf32, #tpu.memory_space<hbm>>, %arg5: memref<128xi32, #tpu.memory_space<vmem>>, %arg6: memref<16xi32, #tpu.memory_space<vmem>>, %arg7: memref<16xi32, #tpu.memory_space<vmem>>, %arg8: memref<2x128xi32, #tpu.memory_space<vmem>>, %arg9: memref<256x128xf32, #tpu.memory_space<vmem>>, %arg10: memref<!tpu.dma_semaphore, #tpu.memory_space<semaphore_mem>>) attributes {dimension_semantics = [#tpu.dimension_semantics<core_parallel>, #tpu.dimension_semantics<subcore_parallel>], iteration_bounds = array<i64: 2, 16>, scalar_prefetch = 0 : i64, scratch_operands = 6 : i64, tpu.core_type = #tpu.core_type<sc_vector_subcore>, window_params = [{transform_indices = #map}, {transform_indices = #map1}, {transform_indices = #map}]} {
    %mul3A = arith.constant 2 : i32
    %mul3A_0 = arith.muli %arg1, %mul3A : i32
    %add3A = arith.addi %mul3A_0, %arg0 : i32
    %mul3A_1 = arith.constant 256 : i32
    %mul3A_2 = arith.muli %add3A, %mul3A_1 : i32
    "tpu.region"() ({
      %run_scoped3A = tpu.sem_alloc : memref<!tpu.dma_semaphore, #tpu.memory_space<semaphore_mem>>
      tpu.enqueue_dma source(%arg3 : memref<128xi32, #tpu.memory_space<hbm>>) target(%arg5 : memref<128xi32, #tpu.memory_space<vmem>>) target_semaphore(%run_scoped3A : memref<!tpu.dma_semaphore, #tpu.memory_space<semaphore_mem>>)
      tpu.wait_dma2 semaphore(%run_scoped3A : memref<!tpu.dma_semaphore, #tpu.memory_space<semaphore_mem>>) src(%arg3 : memref<128xi32, #tpu.memory_space<hbm>>) dst(%arg5 : memref<128xi32, #tpu.memory_space<vmem>>)
      tpu.yield
    }) : () -> ()
    %iota3A = tpu.iota {dimensions = array<i32: 0>} : vector<16xi32>
    %broadcast_in_dim3A = arith.constant 0 : i32
    %broadcast_in_dim3A_3 = vector.broadcast %broadcast_in_dim3A : i32 to vector<16xi32>
    %add3A_4 = arith.constant 0 : i32
    %add3A_5 = vector.broadcast %add3A_4 : i32 to vector<16xi32>
    %add3A_6 = arith.addi %iota3A, %add3A_5 : vector<16xi32>
    %gather3A = tpu.vector_load_idx %arg5[%add3A_6] : memref<128xi32, #tpu.memory_space<vmem>>[vector<16xi32>], vector<16xi32>,
    %ge3A = arith.constant 1 : i32
    %ge3A_7 = vector.broadcast %ge3A : i32 to vector<16xi32>
    %ge3A_8 = arith.cmpi sge, %iota3A, %ge3A_7 : vector<16xi32>
    %sub3A = arith.constant 1 : i32
    %sub3A_9 = vector.broadcast %sub3A : i32 to vector<16xi32>
    %sub3A_10 = arith.subi %iota3A, %sub3A_9 : vector<16xi32>
    %add3A_11 = arith.constant 16 : i32
    %add3A_12 = vector.broadcast %add3A_11 : i32 to vector<16xi32>
    %add3A_13 = arith.addi %iota3A, %add3A_12 : vector<16xi32>
    %sub3A_14 = arith.constant 1 : i32
    %sub3A_15 = vector.broadcast %sub3A_14 : i32 to vector<16xi32>
    %sub3A_16 = arith.subi %add3A_13, %sub3A_15 : vector<16xi32>
    %select_n3A = arith.select %ge3A_8, %sub3A_10, %sub3A_16 : vector<16xi1>, vector<16xi32>
    %add3A_17 = arith.constant 0 : i32
    %add3A_18 = vector.broadcast %add3A_17 : i32 to vector<16xi32>
    %add3A_19 = arith.addi %select_n3A, %add3A_18 : vector<16xi32>
    %gather3A_20 = tpu.vector_load_idx %arg5[%add3A_19] : memref<128xi32, #tpu.memory_space<vmem>>[vector<16xi32>], vector<16xi32>,
    %sub3A_21 = arith.constant 16384 : i32
    %sub3A_22 = vector.broadcast %sub3A_21 : i32 to vector<16xi32>
    %sub3A_23 = arith.subi %sub3A_22, %gather3A : vector<16xi32>
    %add3A_24 = arith.addi %sub3A_23, %gather3A_20 : vector<16xi32>
    %add3A_25 = arith.addi %broadcast_in_dim3A_3, %add3A_24 : vector<16xi32>
    %add3A_26 = arith.constant 16 : i32
    %add3A_27 = vector.broadcast %add3A_26 : i32 to vector<16xi32>
    %add3A_28 = arith.addi %iota3A, %add3A_27 : vector<16xi32>
    %gather3A_29 = tpu.vector_load_idx %arg5[%add3A_28] : memref<128xi32, #tpu.memory_space<vmem>>[vector<16xi32>], vector<16xi32>,
    %ge3A_30 = arith.constant 2 : i32
    %ge3A_31 = vector.broadcast %ge3A_30 : i32 to vector<16xi32>
    %ge3A_32 = arith.cmpi sge, %iota3A, %ge3A_31 : vector<16xi32>
    %sub3A_33 = arith.constant 2 : i32
    %sub3A_34 = vector.broadcast %sub3A_33 : i32 to vector<16xi32>
    %sub3A_35 = arith.subi %iota3A, %sub3A_34 : vector<16xi32>
    %add3A_36 = arith.constant 16 : i32
    %add3A_37 = vector.broadcast %add3A_36 : i32 to vector<16xi32>
    %add3A_38 = arith.addi %iota3A, %add3A_37 : vector<16xi32>
    %sub3A_39 = arith.constant 2 : i32
    %sub3A_40 = vector.broadcast %sub3A_39 : i32 to vector<16xi32>
    %sub3A_41 = arith.subi %add3A_38, %sub3A_40 : vector<16xi32>
    %select_n3A_42 = arith.select %ge3A_32, %sub3A_35, %sub3A_41 : vector<16xi1>, vector<16xi32>
    %add3A_43 = arith.constant 16 : i32
    %add3A_44 = vector.broadcast %add3A_43 : i32 to vector<16xi32>
    %add3A_45 = arith.addi %select_n3A_42, %add3A_44 : vector<16xi32>
    %gather3A_46 = tpu.vector_load_idx %arg5[%add3A_45] : memref<128xi32, #tpu.memory_space<vmem>>[vector<16xi32>], vector<16xi32>,
    %sub3A_47 = arith.constant 16384 : i32
    %sub3A_48 = vector.broadcast %sub3A_47 : i32 to vector<16xi32>
    %sub3A_49 = arith.subi %sub3A_48, %gather3A_29 : vector<16xi32>
    %add3A_50 = arith.addi %sub3A_49, %gather3A_46 : vector<16xi32>
    %add3A_51 = arith.addi %add3A_25, %add3A_50 : vector<16xi32>
    %add3A_52 = arith.constant 32 : i32
    %add3A_53 = vector.broadcast %add3A_52 : i32 to vector<16xi32>
    %add3A_54 = arith.addi %iota3A, %add3A_53 : vector<16xi32>
    %gather3A_55 = tpu.vector_load_idx %arg5[%add3A_54] : memref<128xi32, #tpu.memory_space<vmem>>[vector<16xi32>], vector<16xi32>,
    %ge3A_56 = arith.constant 3 : i32
    %ge3A_57 = vector.broadcast %ge3A_56 : i32 to vector<16xi32>
    %ge3A_58 = arith.cmpi sge, %iota3A, %ge3A_57 : vector<16xi32>
    %sub3A_59 = arith.constant 3 : i32
    %sub3A_60 = vector.broadcast %sub3A_59 : i32 to vector<16xi32>
    %sub3A_61 = arith.subi %iota3A, %sub3A_60 : vector<16xi32>
    %add3A_62 = arith.constant 16 : i32
    %add3A_63 = vector.broadcast %add3A_62 : i32 to vector<16xi32>
    %add3A_64 = arith.addi %iota3A, %add3A_63 : vector<16xi32>
    %sub3A_65 = arith.constant 3 : i32
    %sub3A_66 = vector.broadcast %sub3A_65 : i32 to vector<16xi32>
    %sub3A_67 = arith.subi %add3A_64, %sub3A_66 : vector<16xi32>
    %select_n3A_68 = arith.select %ge3A_58, %sub3A_61, %sub3A_67 : vector<16xi1>, vector<16xi32>
    %add3A_69 = arith.constant 32 : i32
    %add3A_70 = vector.broadcast %add3A_69 : i32 to vector<16xi32>
    %add3A_71 = arith.addi %select_n3A_68, %add3A_70 : vector<16xi32>
    %gather3A_72 = tpu.vector_load_idx %arg5[%add3A_71] : memref<128xi32, #tpu.memory_space<vmem>>[vector<16xi32>], vector<16xi32>,
    %sub3A_73 = arith.constant 16384 : i32
    %sub3A_74 = vector.broadcast %sub3A_73 : i32 to vector<16xi32>
    %sub3A_75 = arith.subi %sub3A_74, %gather3A_55 : vector<16xi32>
    %add3A_76 = arith.addi %sub3A_75, %gather3A_72 : vector<16xi32>
    %add3A_77 = arith.addi %add3A_51, %add3A_76 : vector<16xi32>
    %add3A_78 = arith.constant 48 : i32
    %add3A_79 = vector.broadcast %add3A_78 : i32 to vector<16xi32>
    %add3A_80 = arith.addi %iota3A, %add3A_79 : vector<16xi32>
    %gather3A_81 = tpu.vector_load_idx %arg5[%add3A_80] : memref<128xi32, #tpu.memory_space<vmem>>[vector<16xi32>], vector<16xi32>,
    %ge3A_82 = arith.constant 4 : i32
    %ge3A_83 = vector.broadcast %ge3A_82 : i32 to vector<16xi32>
    %ge3A_84 = arith.cmpi sge, %iota3A, %ge3A_83 : vector<16xi32>
    %sub3A_85 = arith.constant 4 : i32
    %sub3A_86 = vector.broadcast %sub3A_85 : i32 to vector<16xi32>
    %sub3A_87 = arith.subi %iota3A, %sub3A_86 : vector<16xi32>
    %add3A_88 = arith.constant 16 : i32
    %add3A_89 = vector.broadcast %add3A_88 : i32 to vector<16xi32>
    %add3A_90 = arith.addi %iota3A, %add3A_89 : vector<16xi32>
    %sub3A_91 = arith.constant 4 : i32
    %sub3A_92 = vector.broadcast %sub3A_91 : i32 to vector<16xi32>
    %sub3A_93 = arith.subi %add3A_90, %sub3A_92 : vector<16xi32>
    %select_n3A_94 = arith.select %ge3A_84, %sub3A_87, %sub3A_93 : vector<16xi1>, vector<16xi32>
    %add3A_95 = arith.constant 48 : i32
    %add3A_96 = vector.broadcast %add3A_95 : i32 to vector<16xi32>
    %add3A_97 = arith.addi %select_n3A_94, %add3A_96 : vector<16xi32>
    %gather3A_98 = tpu.vector_load_idx %arg5[%add3A_97] : memref<128xi32, #tpu.memory_space<vmem>>[vector<16xi32>], vector<16xi32>,
    %sub3A_99 = arith.constant 16384 : i32
    %sub3A_100 = vector.broadcast %sub3A_99 : i32 to vector<16xi32>
    %sub3A_101 = arith.subi %sub3A_100, %gather3A_81 : vector<16xi32>
    %add3A_102 = arith.addi %sub3A_101, %gather3A_98 : vector<16xi32>
    %add3A_103 = arith.addi %add3A_77, %add3A_102 : vector<16xi32>
    %add3A_104 = arith.constant 64 : i32
    %add3A_105 = vector.broadcast %add3A_104 : i32 to vector<16xi32>
    %add3A_106 = arith.addi %iota3A, %add3A_105 : vector<16xi32>
    %gather3A_107 = tpu.vector_load_idx %arg5[%add3A_106] : memref<128xi32, #tpu.memory_space<vmem>>[vector<16xi32>], vector<16xi32>,
    %ge3A_108 = arith.constant 5 : i32
    %ge3A_109 = vector.broadcast %ge3A_108 : i32 to vector<16xi32>
    %ge3A_110 = arith.cmpi sge, %iota3A, %ge3A_109 : vector<16xi32>
    %sub3A_111 = arith.constant 5 : i32
    %sub3A_112 = vector.broadcast %sub3A_111 : i32 to vector<16xi32>
    %sub3A_113 = arith.subi %iota3A, %sub3A_112 : vector<16xi32>
    %add3A_114 = arith.constant 16 : i32
    %add3A_115 = vector.broadcast %add3A_114 : i32 to vector<16xi32>
    %add3A_116 = arith.addi %iota3A, %add3A_115 : vector<16xi32>
    %sub3A_117 = arith.constant 5 : i32
    %sub3A_118 = vector.broadcast %sub3A_117 : i32 to vector<16xi32>
    %sub3A_119 = arith.subi %add3A_116, %sub3A_118 : vector<16xi32>
    %select_n3A_120 = arith.select %ge3A_110, %sub3A_113, %sub3A_119 : vector<16xi1>, vector<16xi32>
    %add3A_121 = arith.constant 64 : i32
    %add3A_122 = vector.broadcast %add3A_121 : i32 to vector<16xi32>
    %add3A_123 = arith.addi %select_n3A_120, %add3A_122 : vector<16xi32>
    %gather3A_124 = tpu.vector_load_idx %arg5[%add3A_123] : memref<128xi32, #tpu.memory_space<vmem>>[vector<16xi32>], vector<16xi32>,
    %sub3A_125 = arith.constant 16384 : i32
    %sub3A_126 = vector.broadcast %sub3A_125 : i32 to vector<16xi32>
    %sub3A_127 = arith.subi %sub3A_126, %gather3A_107 : vector<16xi32>
    %add3A_128 = arith.addi %sub3A_127, %gather3A_124 : vector<16xi32>
    %add3A_129 = arith.addi %add3A_103, %add3A_128 : vector<16xi32>
    %add3A_130 = arith.constant 80 : i32
    %add3A_131 = vector.broadcast %add3A_130 : i32 to vector<16xi32>
    %add3A_132 = arith.addi %iota3A, %add3A_131 : vector<16xi32>
    %gather3A_133 = tpu.vector_load_idx %arg5[%add3A_132] : memref<128xi32, #tpu.memory_space<vmem>>[vector<16xi32>], vector<16xi32>,
    %ge3A_134 = arith.constant 6 : i32
    %ge3A_135 = vector.broadcast %ge3A_134 : i32 to vector<16xi32>
    %ge3A_136 = arith.cmpi sge, %iota3A, %ge3A_135 : vector<16xi32>
    %sub3A_137 = arith.constant 6 : i32
    %sub3A_138 = vector.broadcast %sub3A_137 : i32 to vector<16xi32>
    %sub3A_139 = arith.subi %iota3A, %sub3A_138 : vector<16xi32>
    %add3A_140 = arith.constant 16 : i32
    %add3A_141 = vector.broadcast %add3A_140 : i32 to vector<16xi32>
    %add3A_142 = arith.addi %iota3A, %add3A_141 : vector<16xi32>
    %sub3A_143 = arith.constant 6 : i32
    %sub3A_144 = vector.broadcast %sub3A_143 : i32 to vector<16xi32>
    %sub3A_145 = arith.subi %add3A_142, %sub3A_144 : vector<16xi32>
    %select_n3A_146 = arith.select %ge3A_136, %sub3A_139, %sub3A_145 : vector<16xi1>, vector<16xi32>
    %add3A_147 = arith.constant 80 : i32
    %add3A_148 = vector.broadcast %add3A_147 : i32 to vector<16xi32>
    %add3A_149 = arith.addi %select_n3A_146, %add3A_148 : vector<16xi32>
    %gather3A_150 = tpu.vector_load_idx %arg5[%add3A_149] : memref<128xi32, #tpu.memory_space<vmem>>[vector<16xi32>], vector<16xi32>,
    %sub3A_151 = arith.constant 16384 : i32
    %sub3A_152 = vector.broadcast %sub3A_151 : i32 to vector<16xi32>
    %sub3A_153 = arith.subi %sub3A_152, %gather3A_133 : vector<16xi32>
    %add3A_154 = arith.addi %sub3A_153, %gather3A_150 : vector<16xi32>
    %add3A_155 = arith.addi %add3A_129, %add3A_154 : vector<16xi32>
    %add3A_156 = arith.constant 96 : i32
    %add3A_157 = vector.broadcast %add3A_156 : i32 to vector<16xi32>
    %add3A_158 = arith.addi %iota3A, %add3A_157 : vector<16xi32>
    %gather3A_159 = tpu.vector_load_idx %arg5[%add3A_158] : memref<128xi32, #tpu.memory_space<vmem>>[vector<16xi32>], vector<16xi32>,
    %ge3A_160 = arith.constant 7 : i32
    %ge3A_161 = vector.broadcast %ge3A_160 : i32 to vector<16xi32>
    %ge3A_162 = arith.cmpi sge, %iota3A, %ge3A_161 : vector<16xi32>
    %sub3A_163 = arith.constant 7 : i32
    %sub3A_164 = vector.broadcast %sub3A_163 : i32 to vector<16xi32>
    %sub3A_165 = arith.subi %iota3A, %sub3A_164 : vector<16xi32>
    %add3A_166 = arith.constant 16 : i32
    %add3A_167 = vector.broadcast %add3A_166 : i32 to vector<16xi32>
    %add3A_168 = arith.addi %iota3A, %add3A_167 : vector<16xi32>
    %sub3A_169 = arith.constant 7 : i32
    %sub3A_170 = vector.broadcast %sub3A_169 : i32 to vector<16xi32>
    %sub3A_171 = arith.subi %add3A_168, %sub3A_170 : vector<16xi32>
    %select_n3A_172 = arith.select %ge3A_162, %sub3A_165, %sub3A_171 : vector<16xi1>, vector<16xi32>
    %add3A_173 = arith.constant 96 : i32
    %add3A_174 = vector.broadcast %add3A_173 : i32 to vector<16xi32>
    %add3A_175 = arith.addi %select_n3A_172, %add3A_174 : vector<16xi32>
    %gather3A_176 = tpu.vector_load_idx %arg5[%add3A_175] : memref<128xi32, #tpu.memory_space<vmem>>[vector<16xi32>], vector<16xi32>,
    %sub3A_177 = arith.constant 16384 : i32
    %sub3A_178 = vector.broadcast %sub3A_177 : i32 to vector<16xi32>
    %sub3A_179 = arith.subi %sub3A_178, %gather3A_159 : vector<16xi32>
    %add3A_180 = arith.addi %sub3A_179, %gather3A_176 : vector<16xi32>
    %add3A_181 = arith.addi %add3A_155, %add3A_180 : vector<16xi32>
    %add3A_182 = arith.constant 112 : i32
    %add3A_183 = vector.broadcast %add3A_182 : i32 to vector<16xi32>
    %add3A_184 = arith.addi %iota3A, %add3A_183 : vector<16xi32>
    %gather3A_185 = tpu.vector_load_idx %arg5[%add3A_184] : memref<128xi32, #tpu.memory_space<vmem>>[vector<16xi32>], vector<16xi32>,
    %ge3A_186 = arith.constant 8 : i32
    %ge3A_187 = vector.broadcast %ge3A_186 : i32 to vector<16xi32>
    %ge3A_188 = arith.cmpi sge, %iota3A, %ge3A_187 : vector<16xi32>
    %sub3A_189 = arith.constant 8 : i32
    %sub3A_190 = vector.broadcast %sub3A_189 : i32 to vector<16xi32>
    %sub3A_191 = arith.subi %iota3A, %sub3A_190 : vector<16xi32>
    %add3A_192 = arith.constant 16 : i32
    %add3A_193 = vector.broadcast %add3A_192 : i32 to vector<16xi32>
    %add3A_194 = arith.addi %iota3A, %add3A_193 : vector<16xi32>
    %sub3A_195 = arith.constant 8 : i32
    %sub3A_196 = vector.broadcast %sub3A_195 : i32 to vector<16xi32>
    %sub3A_197 = arith.subi %add3A_194, %sub3A_196 : vector<16xi32>
    %select_n3A_198 = arith.select %ge3A_188, %sub3A_191, %sub3A_197 : vector<16xi1>, vector<16xi32>
    %add3A_199 = arith.constant 112 : i32
    %add3A_200 = vector.broadcast %add3A_199 : i32 to vector<16xi32>
    %add3A_201 = arith.addi %select_n3A_198, %add3A_200 : vector<16xi32>
    %gather3A_202 = tpu.vector_load_idx %arg5[%add3A_201] : memref<128xi32, #tpu.memory_space<vmem>>[vector<16xi32>], vector<16xi32>,
    %lt3A = arith.constant 8 : i32
    %lt3A_203 = vector.broadcast %lt3A : i32 to vector<16xi32>
    %lt3A_204 = arith.cmpi slt, %iota3A, %lt3A_203 : vector<16xi32>
    %sub3A_205 = arith.constant 16384 : i32
    %sub3A_206 = vector.broadcast %sub3A_205 : i32 to vector<16xi32>
    %sub3A_207 = arith.subi %sub3A_206, %gather3A_185 : vector<16xi32>
    %jit3A = arith.constant 0 : i32
    %broadcast_in_dim3A_208 = vector.broadcast %jit3A : i32 to vector<16xi32>
    %select_n3A_209 = arith.select %lt3A_204, %sub3A_207, %broadcast_in_dim3A_208 : vector<16xi1>, vector<16xi32>
    %add3A_210 = arith.addi %add3A_181, %select_n3A_209 : vector<16xi32>
    %lt3A_211 = arith.constant 8 : i32
    %lt3A_212 = vector.broadcast %lt3A_211 : i32 to vector<16xi32>
    %lt3A_213 = arith.cmpi slt, %select_n3A_198, %lt3A_212 : vector<16xi32>
    %jit3A_214 = arith.constant 0 : i32
    %broadcast_in_dim3A_215 = vector.broadcast %jit3A_214 : i32 to vector<16xi32>
    %select_n3A_216 = arith.select %lt3A_213, %gather3A_202, %broadcast_in_dim3A_215 : vector<16xi1>, vector<16xi32>
    %add3A_217 = arith.addi %add3A_210, %select_n3A_216 : vector<16xi32>
    %mul3A_218 = arith.constant 16 : i32
    %mul3A_219 = vector.broadcast %mul3A_218 : i32 to vector<16xi32>
    %mul3A_220 = arith.muli %add3A_217, %mul3A_219 : vector<16xi32>
    %sub3A_221 = arith.constant 15 : i32
    %sub3A_222 = vector.broadcast %sub3A_221 : i32 to vector<16xi32>
    %sub3A_223 = arith.subi %sub3A_222, %iota3A : vector<16xi32>
    %add3A_224 = arith.addi %mul3A_220, %sub3A_223 : vector<16xi32>
    %swap3A = arith.constant 0 : index
    %swap3A_225 = tpu.vector_load %arg6[%swap3A] {strides = array<i32>} : memref<16xi32, #tpu.memory_space<vmem>>, vector<16xi32>,
    tpu.vector_store %arg6[%swap3A], %add3A_224 {strides = array<i32>} : memref<16xi32, #tpu.memory_space<vmem>>, vector<16xi32>,
    %broadcast_in_dim3A_226 = arith.constant 0 : i32
    %broadcast_in_dim3A_227 = vector.broadcast %broadcast_in_dim3A_226 : i32 to vector<16xi32>
    %add3A_228 = arith.constant 1 : i32
    %add3A_229 = vector.broadcast %add3A_228 : i32 to vector<16xi32>
    %add3A_230 = arith.addi %iota3A, %add3A_229 : vector<16xi32>
    %ge3A_231 = arith.constant 16 : i32
    %ge3A_232 = vector.broadcast %ge3A_231 : i32 to vector<16xi32>
    %ge3A_233 = arith.cmpi sge, %add3A_230, %ge3A_232 : vector<16xi32>
    %sub3A_234 = arith.constant 16 : i32
    %sub3A_235 = vector.broadcast %sub3A_234 : i32 to vector<16xi32>
    %sub3A_236 = arith.subi %add3A_230, %sub3A_235 : vector<16xi32>
    %select_n3A_237 = arith.select %ge3A_233, %sub3A_236, %add3A_230 : vector<16xi1>, vector<16xi32>
    %gather3A_238 = tpu.vector_load_idx %arg6[%select_n3A_237] : memref<16xi32, #tpu.memory_space<vmem>>[vector<16xi32>], vector<16xi32>,
    %gt3A = arith.cmpi sgt, %gather3A_238, %add3A_224 : vector<16xi32>
    %convert_element_type3A = arith.extui %gt3A : vector<16xi1> to vector<16xi32>
    %add3A_239 = arith.addi %broadcast_in_dim3A_227, %convert_element_type3A : vector<16xi32>
    %add3A_240 = arith.constant 2 : i32
    %add3A_241 = vector.broadcast %add3A_240 : i32 to vector<16xi32>
    %add3A_242 = arith.addi %iota3A, %add3A_241 : vector<16xi32>
    %ge3A_243 = arith.constant 16 : i32
    %ge3A_244 = vector.broadcast %ge3A_243 : i32 to vector<16xi32>
    %ge3A_245 = arith.cmpi sge, %add3A_242, %ge3A_244 : vector<16xi32>
    %sub3A_246 = arith.constant 16 : i32
    %sub3A_247 = vector.broadcast %sub3A_246 : i32 to vector<16xi32>
    %sub3A_248 = arith.subi %add3A_242, %sub3A_247 : vector<16xi32>
    %select_n3A_249 = arith.select %ge3A_245, %sub3A_248, %add3A_242 : vector<16xi1>, vector<16xi32>
    %gather3A_250 = tpu.vector_load_idx %arg6[%select_n3A_249] : memref<16xi32, #tpu.memory_space<vmem>>[vector<16xi32>], vector<16xi32>,
    %gt3A_251 = arith.cmpi sgt, %gather3A_250, %add3A_224 : vector<16xi32>
    %convert_element_type3A_252 = arith.extui %gt3A_251 : vector<16xi1> to vector<16xi32>
    %add3A_253 = arith.addi %add3A_239, %convert_element_type3A_252 : vector<16xi32>
    %add3A_254 = arith.constant 3 : i32
    %add3A_255 = vector.broadcast %add3A_254 : i32 to vector<16xi32>
    %add3A_256 = arith.addi %iota3A, %add3A_255 : vector<16xi32>
    %ge3A_257 = arith.constant 16 : i32
    %ge3A_258 = vector.broadcast %ge3A_257 : i32 to vector<16xi32>
    %ge3A_259 = arith.cmpi sge, %add3A_256, %ge3A_258 : vector<16xi32>
    %sub3A_260 = arith.constant 16 : i32
    %sub3A_261 = vector.broadcast %sub3A_260 : i32 to vector<16xi32>
    %sub3A_262 = arith.subi %add3A_256, %sub3A_261 : vector<16xi32>
    %select_n3A_263 = arith.select %ge3A_259, %sub3A_262, %add3A_256 : vector<16xi1>, vector<16xi32>
    %gather3A_264 = tpu.vector_load_idx %arg6[%select_n3A_263] : memref<16xi32, #tpu.memory_space<vmem>>[vector<16xi32>], vector<16xi32>,
    %gt3A_265 = arith.cmpi sgt, %gather3A_264, %add3A_224 : vector<16xi32>
    %convert_element_type3A_266 = arith.extui %gt3A_265 : vector<16xi1> to vector<16xi32>
    %add3A_267 = arith.addi %add3A_253, %convert_element_type3A_266 : vector<16xi32>
    %add3A_268 = arith.constant 4 : i32
    %add3A_269 = vector.broadcast %add3A_268 : i32 to vector<16xi32>
    %add3A_270 = arith.addi %iota3A, %add3A_269 : vector<16xi32>
    %ge3A_271 = arith.constant 16 : i32
    %ge3A_272 = vector.broadcast %ge3A_271 : i32 to vector<16xi32>
    %ge3A_273 = arith.cmpi sge, %add3A_270, %ge3A_272 : vector<16xi32>
    %sub3A_274 = arith.constant 16 : i32
    %sub3A_275 = vector.broadcast %sub3A_274 : i32 to vector<16xi32>
    %sub3A_276 = arith.subi %add3A_270, %sub3A_275 : vector<16xi32>
    %select_n3A_277 = arith.select %ge3A_273, %sub3A_276, %add3A_270 : vector<16xi1>, vector<16xi32>
    %gather3A_278 = tpu.vector_load_idx %arg6[%select_n3A_277] : memref<16xi32, #tpu.memory_space<vmem>>[vector<16xi32>], vector<16xi32>,
    %gt3A_279 = arith.cmpi sgt, %gather3A_278, %add3A_224 : vector<16xi32>
    %convert_element_type3A_280 = arith.extui %gt3A_279 : vector<16xi1> to vector<16xi32>
    %add3A_281 = arith.addi %add3A_267, %convert_element_type3A_280 : vector<16xi32>
    %add3A_282 = arith.constant 5 : i32
    %add3A_283 = vector.broadcast %add3A_282 : i32 to vector<16xi32>
    %add3A_284 = arith.addi %iota3A, %add3A_283 : vector<16xi32>
    %ge3A_285 = arith.constant 16 : i32
    %ge3A_286 = vector.broadcast %ge3A_285 : i32 to vector<16xi32>
    %ge3A_287 = arith.cmpi sge, %add3A_284, %ge3A_286 : vector<16xi32>
    %sub3A_288 = arith.constant 16 : i32
    %sub3A_289 = vector.broadcast %sub3A_288 : i32 to vector<16xi32>
    %sub3A_290 = arith.subi %add3A_284, %sub3A_289 : vector<16xi32>
    %select_n3A_291 = arith.select %ge3A_287, %sub3A_290, %add3A_284 : vector<16xi1>, vector<16xi32>
    %gather3A_292 = tpu.vector_load_idx %arg6[%select_n3A_291] : memref<16xi32, #tpu.memory_space<vmem>>[vector<16xi32>], vector<16xi32>,
    %gt3A_293 = arith.cmpi sgt, %gather3A_292, %add3A_224 : vector<16xi32>
    %convert_element_type3A_294 = arith.extui %gt3A_293 : vector<16xi1> to vector<16xi32>
    %add3A_295 = arith.addi %add3A_281, %convert_element_type3A_294 : vector<16xi32>
    %add3A_296 = arith.constant 6 : i32
    %add3A_297 = vector.broadcast %add3A_296 : i32 to vector<16xi32>
    %add3A_298 = arith.addi %iota3A, %add3A_297 : vector<16xi32>
    %ge3A_299 = arith.constant 16 : i32
    %ge3A_300 = vector.broadcast %ge3A_299 : i32 to vector<16xi32>
    %ge3A_301 = arith.cmpi sge, %add3A_298, %ge3A_300 : vector<16xi32>
    %sub3A_302 = arith.constant 16 : i32
    %sub3A_303 = vector.broadcast %sub3A_302 : i32 to vector<16xi32>
    %sub3A_304 = arith.subi %add3A_298, %sub3A_303 : vector<16xi32>
    %select_n3A_305 = arith.select %ge3A_301, %sub3A_304, %add3A_298 : vector<16xi1>, vector<16xi32>
    %gather3A_306 = tpu.vector_load_idx %arg6[%select_n3A_305] : memref<16xi32, #tpu.memory_space<vmem>>[vector<16xi32>], vector<16xi32>,
    %gt3A_307 = arith.cmpi sgt, %gather3A_306, %add3A_224 : vector<16xi32>
    %convert_element_type3A_308 = arith.extui %gt3A_307 : vector<16xi1> to vector<16xi32>
    %add3A_309 = arith.addi %add3A_295, %convert_element_type3A_308 : vector<16xi32>
    %add3A_310 = arith.constant 7 : i32
    %add3A_311 = vector.broadcast %add3A_310 : i32 to vector<16xi32>
    %add3A_312 = arith.addi %iota3A, %add3A_311 : vector<16xi32>
    %ge3A_313 = arith.constant 16 : i32
    %ge3A_314 = vector.broadcast %ge3A_313 : i32 to vector<16xi32>
    %ge3A_315 = arith.cmpi sge, %add3A_312, %ge3A_314 : vector<16xi32>
    %sub3A_316 = arith.constant 16 : i32
    %sub3A_317 = vector.broadcast %sub3A_316 : i32 to vector<16xi32>
    %sub3A_318 = arith.subi %add3A_312, %sub3A_317 : vector<16xi32>
    %select_n3A_319 = arith.select %ge3A_315, %sub3A_318, %add3A_312 : vector<16xi1>, vector<16xi32>
    %gather3A_320 = tpu.vector_load_idx %arg6[%select_n3A_319] : memref<16xi32, #tpu.memory_space<vmem>>[vector<16xi32>], vector<16xi32>,
    %gt3A_321 = arith.cmpi sgt, %gather3A_320, %add3A_224 : vector<16xi32>
    %convert_element_type3A_322 = arith.extui %gt3A_321 : vector<16xi1> to vector<16xi32>
    %add3A_323 = arith.addi %add3A_309, %convert_element_type3A_322 : vector<16xi32>
    %add3A_324 = arith.constant 8 : i32
    %add3A_325 = vector.broadcast %add3A_324 : i32 to vector<16xi32>
    %add3A_326 = arith.addi %iota3A, %add3A_325 : vector<16xi32>
    %ge3A_327 = arith.constant 16 : i32
    %ge3A_328 = vector.broadcast %ge3A_327 : i32 to vector<16xi32>
    %ge3A_329 = arith.cmpi sge, %add3A_326, %ge3A_328 : vector<16xi32>
    %sub3A_330 = arith.constant 16 : i32
    %sub3A_331 = vector.broadcast %sub3A_330 : i32 to vector<16xi32>
    %sub3A_332 = arith.subi %add3A_326, %sub3A_331 : vector<16xi32>
    %select_n3A_333 = arith.select %ge3A_329, %sub3A_332, %add3A_326 : vector<16xi1>, vector<16xi32>
    %gather3A_334 = tpu.vector_load_idx %arg6[%select_n3A_333] : memref<16xi32, #tpu.memory_space<vmem>>[vector<16xi32>], vector<16xi32>,
    %gt3A_335 = arith.cmpi sgt, %gather3A_334, %add3A_224 : vector<16xi32>
    %convert_element_type3A_336 = arith.extui %gt3A_335 : vector<16xi1> to vector<16xi32>
    %add3A_337 = arith.addi %add3A_323, %convert_element_type3A_336 : vector<16xi32>
    %add3A_338 = arith.constant 9 : i32
    %add3A_339 = vector.broadcast %add3A_338 : i32 to vector<16xi32>
    %add3A_340 = arith.addi %iota3A, %add3A_339 : vector<16xi32>
    %ge3A_341 = arith.constant 16 : i32
    %ge3A_342 = vector.broadcast %ge3A_341 : i32 to vector<16xi32>
    %ge3A_343 = arith.cmpi sge, %add3A_340, %ge3A_342 : vector<16xi32>
    %sub3A_344 = arith.constant 16 : i32
    %sub3A_345 = vector.broadcast %sub3A_344 : i32 to vector<16xi32>
    %sub3A_346 = arith.subi %add3A_340, %sub3A_345 : vector<16xi32>
    %select_n3A_347 = arith.select %ge3A_343, %sub3A_346, %add3A_340 : vector<16xi1>, vector<16xi32>
    %gather3A_348 = tpu.vector_load_idx %arg6[%select_n3A_347] : memref<16xi32, #tpu.memory_space<vmem>>[vector<16xi32>], vector<16xi32>,
    %gt3A_349 = arith.cmpi sgt, %gather3A_348, %add3A_224 : vector<16xi32>
    %convert_element_type3A_350 = arith.extui %gt3A_349 : vector<16xi1> to vector<16xi32>
    %add3A_351 = arith.addi %add3A_337, %convert_element_type3A_350 : vector<16xi32>
    %add3A_352 = arith.constant 10 : i32
    %add3A_353 = vector.broadcast %add3A_352 : i32 to vector<16xi32>
    %add3A_354 = arith.addi %iota3A, %add3A_353 : vector<16xi32>
    %ge3A_355 = arith.constant 16 : i32
    %ge3A_356 = vector.broadcast %ge3A_355 : i32 to vector<16xi32>
    %ge3A_357 = arith.cmpi sge, %add3A_354, %ge3A_356 : vector<16xi32>
    %sub3A_358 = arith.constant 16 : i32
    %sub3A_359 = vector.broadcast %sub3A_358 : i32 to vector<16xi32>
    %sub3A_360 = arith.subi %add3A_354, %sub3A_359 : vector<16xi32>
    %select_n3A_361 = arith.select %ge3A_357, %sub3A_360, %add3A_354 : vector<16xi1>, vector<16xi32>
    %gather3A_362 = tpu.vector_load_idx %arg6[%select_n3A_361] : memref<16xi32, #tpu.memory_space<vmem>>[vector<16xi32>], vector<16xi32>,
    %gt3A_363 = arith.cmpi sgt, %gather3A_362, %add3A_224 : vector<16xi32>
    %convert_element_type3A_364 = arith.extui %gt3A_363 : vector<16xi1> to vector<16xi32>
    %add3A_365 = arith.addi %add3A_351, %convert_element_type3A_364 : vector<16xi32>
    %add3A_366 = arith.constant 11 : i32
    %add3A_367 = vector.broadcast %add3A_366 : i32 to vector<16xi32>
    %add3A_368 = arith.addi %iota3A, %add3A_367 : vector<16xi32>
    %ge3A_369 = arith.constant 16 : i32
    %ge3A_370 = vector.broadcast %ge3A_369 : i32 to vector<16xi32>
    %ge3A_371 = arith.cmpi sge, %add3A_368, %ge3A_370 : vector<16xi32>
    %sub3A_372 = arith.constant 16 : i32
    %sub3A_373 = vector.broadcast %sub3A_372 : i32 to vector<16xi32>
    %sub3A_374 = arith.subi %add3A_368, %sub3A_373 : vector<16xi32>
    %select_n3A_375 = arith.select %ge3A_371, %sub3A_374, %add3A_368 : vector<16xi1>, vector<16xi32>
    %gather3A_376 = tpu.vector_load_idx %arg6[%select_n3A_375] : memref<16xi32, #tpu.memory_space<vmem>>[vector<16xi32>], vector<16xi32>,
    %gt3A_377 = arith.cmpi sgt, %gather3A_376, %add3A_224 : vector<16xi32>
    %convert_element_type3A_378 = arith.extui %gt3A_377 : vector<16xi1> to vector<16xi32>
    %add3A_379 = arith.addi %add3A_365, %convert_element_type3A_378 : vector<16xi32>
    %add3A_380 = arith.constant 12 : i32
    %add3A_381 = vector.broadcast %add3A_380 : i32 to vector<16xi32>
    %add3A_382 = arith.addi %iota3A, %add3A_381 : vector<16xi32>
    %ge3A_383 = arith.constant 16 : i32
    %ge3A_384 = vector.broadcast %ge3A_383 : i32 to vector<16xi32>
    %ge3A_385 = arith.cmpi sge, %add3A_382, %ge3A_384 : vector<16xi32>
    %sub3A_386 = arith.constant 16 : i32
    %sub3A_387 = vector.broadcast %sub3A_386 : i32 to vector<16xi32>
    %sub3A_388 = arith.subi %add3A_382, %sub3A_387 : vector<16xi32>
    %select_n3A_389 = arith.select %ge3A_385, %sub3A_388, %add3A_382 : vector<16xi1>, vector<16xi32>
    %gather3A_390 = tpu.vector_load_idx %arg6[%select_n3A_389] : memref<16xi32, #tpu.memory_space<vmem>>[vector<16xi32>], vector<16xi32>,
    %gt3A_391 = arith.cmpi sgt, %gather3A_390, %add3A_224 : vector<16xi32>
    %convert_element_type3A_392 = arith.extui %gt3A_391 : vector<16xi1> to vector<16xi32>
    %add3A_393 = arith.addi %add3A_379, %convert_element_type3A_392 : vector<16xi32>
    %add3A_394 = arith.constant 13 : i32
    %add3A_395 = vector.broadcast %add3A_394 : i32 to vector<16xi32>
    %add3A_396 = arith.addi %iota3A, %add3A_395 : vector<16xi32>
    %ge3A_397 = arith.constant 16 : i32
    %ge3A_398 = vector.broadcast %ge3A_397 : i32 to vector<16xi32>
    %ge3A_399 = arith.cmpi sge, %add3A_396, %ge3A_398 : vector<16xi32>
    %sub3A_400 = arith.constant 16 : i32
    %sub3A_401 = vector.broadcast %sub3A_400 : i32 to vector<16xi32>
    %sub3A_402 = arith.subi %add3A_396, %sub3A_401 : vector<16xi32>
    %select_n3A_403 = arith.select %ge3A_399, %sub3A_402, %add3A_396 : vector<16xi1>, vector<16xi32>
    %gather3A_404 = tpu.vector_load_idx %arg6[%select_n3A_403] : memref<16xi32, #tpu.memory_space<vmem>>[vector<16xi32>], vector<16xi32>,
    %gt3A_405 = arith.cmpi sgt, %gather3A_404, %add3A_224 : vector<16xi32>
    %convert_element_type3A_406 = arith.extui %gt3A_405 : vector<16xi1> to vector<16xi32>
    %add3A_407 = arith.addi %add3A_393, %convert_element_type3A_406 : vector<16xi32>
    %add3A_408 = arith.constant 14 : i32
    %add3A_409 = vector.broadcast %add3A_408 : i32 to vector<16xi32>
    %add3A_410 = arith.addi %iota3A, %add3A_409 : vector<16xi32>
    %ge3A_411 = arith.constant 16 : i32
    %ge3A_412 = vector.broadcast %ge3A_411 : i32 to vector<16xi32>
    %ge3A_413 = arith.cmpi sge, %add3A_410, %ge3A_412 : vector<16xi32>
    %sub3A_414 = arith.constant 16 : i32
    %sub3A_415 = vector.broadcast %sub3A_414 : i32 to vector<16xi32>
    %sub3A_416 = arith.subi %add3A_410, %sub3A_415 : vector<16xi32>
    %select_n3A_417 = arith.select %ge3A_413, %sub3A_416, %add3A_410 : vector<16xi1>, vector<16xi32>
    %gather3A_418 = tpu.vector_load_idx %arg6[%select_n3A_417] : memref<16xi32, #tpu.memory_space<vmem>>[vector<16xi32>], vector<16xi32>,
    %gt3A_419 = arith.cmpi sgt, %gather3A_418, %add3A_224 : vector<16xi32>
    %convert_element_type3A_420 = arith.extui %gt3A_419 : vector<16xi1> to vector<16xi32>
    %add3A_421 = arith.addi %add3A_407, %convert_element_type3A_420 : vector<16xi32>
    %add3A_422 = arith.constant 15 : i32
    %add3A_423 = vector.broadcast %add3A_422 : i32 to vector<16xi32>
    %add3A_424 = arith.addi %iota3A, %add3A_423 : vector<16xi32>
    %ge3A_425 = arith.constant 16 : i32
    %ge3A_426 = vector.broadcast %ge3A_425 : i32 to vector<16xi32>
    %ge3A_427 = arith.cmpi sge, %add3A_424, %ge3A_426 : vector<16xi32>
    %sub3A_428 = arith.constant 16 : i32
    %sub3A_429 = vector.broadcast %sub3A_428 : i32 to vector<16xi32>
    %sub3A_430 = arith.subi %add3A_424, %sub3A_429 : vector<16xi32>
    %select_n3A_431 = arith.select %ge3A_427, %sub3A_430, %add3A_424 : vector<16xi1>, vector<16xi32>
    %gather3A_432 = tpu.vector_load_idx %arg6[%select_n3A_431] : memref<16xi32, #tpu.memory_space<vmem>>[vector<16xi32>], vector<16xi32>,
    %gt3A_433 = arith.cmpi sgt, %gather3A_432, %add3A_224 : vector<16xi32>
    %convert_element_type3A_434 = arith.extui %gt3A_433 : vector<16xi1> to vector<16xi32>
    %add3A_435 = arith.addi %add3A_421, %convert_element_type3A_434 : vector<16xi32>
    tpu.vector_store_idx %arg7[%add3A_435], %iota3A : memref<16xi32, #tpu.memory_space<vmem>>[vector<16xi32>], vector<16xi32>,
    %add3A_436 = arith.constant 0 : i32
    %add3A_437 = arith.addi %mul3A_2, %add3A_436 : i32
    %add3A_438 = vector.broadcast %add3A_437 : i32 to vector<16xi32>
    %add3A_439 = arith.addi %add3A_438, %iota3A : vector<16xi32>
    %and3A = arith.constant 7 : i32
    %and3A_440 = vector.broadcast %and3A : i32 to vector<16xi32>
    %and3A_441 = arith.andi %add3A_439, %and3A_440 : vector<16xi32>
    %shift_right_logical3A = arith.constant 3 : i32
    %shift_right_logical3A_442 = vector.broadcast %shift_right_logical3A : i32 to vector<16xi32>
    %shift_right_logical3A_443 = arith.shrui %add3A_439, %shift_right_logical3A_442 : vector<16xi32>
    %mul3A_444 = arith.constant 16 : i32
    %mul3A_445 = vector.broadcast %mul3A_444 : i32 to vector<16xi32>
    %mul3A_446 = arith.muli %shift_right_logical3A_443, %mul3A_445 : vector<16xi32>
    %gather3A_447 = tpu.vector_load_idx %arg7[%and3A_441] : memref<16xi32, #tpu.memory_space<vmem>>[vector<16xi32>], vector<16xi32>,
    %add3A_448 = arith.addi %mul3A_446, %gather3A_447 : vector<16xi32>
    %swap3A_449 = arith.constant 0 : i32
    %swap3A_450 = arith.index_cast %swap3A_449 : i32 to index
    %swap3A_451 = arith.constant 0 : index
    %swap3A_452 = tpu.vector_load %arg8[%swap3A_450, %swap3A_451] {strides = array<i32>} : memref<2x128xi32, #tpu.memory_space<vmem>>, vector<16xi32>,
    tpu.vector_store %arg8[%swap3A_450, %swap3A_451], %add3A_448 {strides = array<i32>} : memref<2x128xi32, #tpu.memory_space<vmem>>, vector<16xi32>,
    %add3A_453 = arith.constant 16 : i32
    %add3A_454 = arith.addi %mul3A_2, %add3A_453 : i32
    %add3A_455 = vector.broadcast %add3A_454 : i32 to vector<16xi32>
    %add3A_456 = arith.addi %add3A_455, %iota3A : vector<16xi32>
    %and3A_457 = arith.constant 7 : i32
    %and3A_458 = vector.broadcast %and3A_457 : i32 to vector<16xi32>
    %and3A_459 = arith.andi %add3A_456, %and3A_458 : vector<16xi32>
    %shift_right_logical3A_460 = arith.constant 3 : i32
    %shift_right_logical3A_461 = vector.broadcast %shift_right_logical3A_460 : i32 to vector<16xi32>
    %shift_right_logical3A_462 = arith.shrui %add3A_456, %shift_right_logical3A_461 : vector<16xi32>
    %mul3A_463 = arith.constant 16 : i32
    %mul3A_464 = vector.broadcast %mul3A_463 : i32 to vector<16xi32>
    %mul3A_465 = arith.muli %shift_right_logical3A_462, %mul3A_464 : vector<16xi32>
    %gather3A_466 = tpu.vector_load_idx %arg7[%and3A_459] : memref<16xi32, #tpu.memory_space<vmem>>[vector<16xi32>], vector<16xi32>,
    %add3A_467 = arith.addi %mul3A_465, %gather3A_466 : vector<16xi32>
    %swap3A_468 = arith.constant 0 : i32
    %swap3A_469 = arith.index_cast %swap3A_468 : i32 to index
    %swap3A_470 = arith.constant 16 : index
    %swap3A_471 = tpu.vector_load %arg8[%swap3A_469, %swap3A_470] {strides = array<i32>} : memref<2x128xi32, #tpu.memory_space<vmem>>, vector<16xi32>,
    tpu.vector_store %arg8[%swap3A_469, %swap3A_470], %add3A_467 {strides = array<i32>} : memref<2x128xi32, #tpu.memory_space<vmem>>, vector<16xi32>,
    %add3A_472 = arith.constant 32 : i32
    %add3A_473 = arith.addi %mul3A_2, %add3A_472 : i32
    %add3A_474 = vector.broadcast %add3A_473 : i32 to vector<16xi32>
    %add3A_475 = arith.addi %add3A_474, %iota3A : vector<16xi32>
    %and3A_476 = arith.constant 7 : i32
    %and3A_477 = vector.broadcast %and3A_476 : i32 to vector<16xi32>
    %and3A_478 = arith.andi %add3A_475, %and3A_477 : vector<16xi32>
    %shift_right_logical3A_479 = arith.constant 3 : i32
    %shift_right_logical3A_480 = vector.broadcast %shift_right_logical3A_479 : i32 to vector<16xi32>
    %shift_right_logical3A_481 = arith.shrui %add3A_475, %shift_right_logical3A_480 : vector<16xi32>
    %mul3A_482 = arith.constant 16 : i32
    %mul3A_483 = vector.broadcast %mul3A_482 : i32 to vector<16xi32>
    %mul3A_484 = arith.muli %shift_right_logical3A_481, %mul3A_483 : vector<16xi32>
    %gather3A_485 = tpu.vector_load_idx %arg7[%and3A_478] : memref<16xi32, #tpu.memory_space<vmem>>[vector<16xi32>], vector<16xi32>,
    %add3A_486 = arith.addi %mul3A_484, %gather3A_485 : vector<16xi32>
    %swap3A_487 = arith.constant 0 : i32
    %swap3A_488 = arith.index_cast %swap3A_487 : i32 to index
    %swap3A_489 = arith.constant 32 : index
    %swap3A_490 = tpu.vector_load %arg8[%swap3A_488, %swap3A_489] {strides = array<i32>} : memref<2x128xi32, #tpu.memory_space<vmem>>, vector<16xi32>,
    tpu.vector_store %arg8[%swap3A_488, %swap3A_489], %add3A_486 {strides = array<i32>} : memref<2x128xi32, #tpu.memory_space<vmem>>, vector<16xi32>,
    %add3A_491 = arith.constant 48 : i32
    %add3A_492 = arith.addi %mul3A_2, %add3A_491 : i32
    %add3A_493 = vector.broadcast %add3A_492 : i32 to vector<16xi32>
    %add3A_494 = arith.addi %add3A_493, %iota3A : vector<16xi32>
    %and3A_495 = arith.constant 7 : i32
    %and3A_496 = vector.broadcast %and3A_495 : i32 to vector<16xi32>
    %and3A_497 = arith.andi %add3A_494, %and3A_496 : vector<16xi32>
    %shift_right_logical3A_498 = arith.constant 3 : i32
    %shift_right_logical3A_499 = vector.broadcast %shift_right_logical3A_498 : i32 to vector<16xi32>
    %shift_right_logical3A_500 = arith.shrui %add3A_494, %shift_right_logical3A_499 : vector<16xi32>
    %mul3A_501 = arith.constant 16 : i32
    %mul3A_502 = vector.broadcast %mul3A_501 : i32 to vector<16xi32>
    %mul3A_503 = arith.muli %shift_right_logical3A_500, %mul3A_502 : vector<16xi32>
    %gather3A_504 = tpu.vector_load_idx %arg7[%and3A_497] : memref<16xi32, #tpu.memory_space<vmem>>[vector<16xi32>], vector<16xi32>,
    %add3A_505 = arith.addi %mul3A_503, %gather3A_504 : vector<16xi32>
    %swap3A_506 = arith.constant 0 : i32
    %swap3A_507 = arith.index_cast %swap3A_506 : i32 to index
    %swap3A_508 = arith.constant 48 : index
    %swap3A_509 = tpu.vector_load %arg8[%swap3A_507, %swap3A_508] {strides = array<i32>} : memref<2x128xi32, #tpu.memory_space<vmem>>, vector<16xi32>,
    tpu.vector_store %arg8[%swap3A_507, %swap3A_508], %add3A_505 {strides = array<i32>} : memref<2x128xi32, #tpu.memory_space<vmem>>, vector<16xi32>,
    %add3A_510 = arith.constant 64 : i32
    %add3A_511 = arith.addi %mul3A_2, %add3A_510 : i32
    %add3A_512 = vector.broadcast %add3A_511 : i32 to vector<16xi32>
    %add3A_513 = arith.addi %add3A_512, %iota3A : vector<16xi32>
    %and3A_514 = arith.constant 7 : i32
    %and3A_515 = vector.broadcast %and3A_514 : i32 to vector<16xi32>
    %and3A_516 = arith.andi %add3A_513, %and3A_515 : vector<16xi32>
    %shift_right_logical3A_517 = arith.constant 3 : i32
    %shift_right_logical3A_518 = vector.broadcast %shift_right_logical3A_517 : i32 to vector<16xi32>
    %shift_right_logical3A_519 = arith.shrui %add3A_513, %shift_right_logical3A_518 : vector<16xi32>
    %mul3A_520 = arith.constant 16 : i32
    %mul3A_521 = vector.broadcast %mul3A_520 : i32 to vector<16xi32>
    %mul3A_522 = arith.muli %shift_right_logical3A_519, %mul3A_521 : vector<16xi32>
    %gather3A_523 = tpu.vector_load_idx %arg7[%and3A_516] : memref<16xi32, #tpu.memory_space<vmem>>[vector<16xi32>], vector<16xi32>,
    %add3A_524 = arith.addi %mul3A_522, %gather3A_523 : vector<16xi32>
    %swap3A_525 = arith.constant 0 : i32
    %swap3A_526 = arith.index_cast %swap3A_525 : i32 to index
    %swap3A_527 = arith.constant 64 : index
    %swap3A_528 = tpu.vector_load %arg8[%swap3A_526, %swap3A_527] {strides = array<i32>} : memref<2x128xi32, #tpu.memory_space<vmem>>, vector<16xi32>,
    tpu.vector_store %arg8[%swap3A_526, %swap3A_527], %add3A_524 {strides = array<i32>} : memref<2x128xi32, #tpu.memory_space<vmem>>, vector<16xi32>,
    %add3A_529 = arith.constant 80 : i32
    %add3A_530 = arith.addi %mul3A_2, %add3A_529 : i32
    %add3A_531 = vector.broadcast %add3A_530 : i32 to vector<16xi32>
    %add3A_532 = arith.addi %add3A_531, %iota3A : vector<16xi32>
    %and3A_533 = arith.constant 7 : i32
    %and3A_534 = vector.broadcast %and3A_533 : i32 to vector<16xi32>
    %and3A_535 = arith.andi %add3A_532, %and3A_534 : vector<16xi32>
    %shift_right_logical3A_536 = arith.constant 3 : i32
    %shift_right_logical3A_537 = vector.broadcast %shift_right_logical3A_536 : i32 to vector<16xi32>
    %shift_right_logical3A_538 = arith.shrui %add3A_532, %shift_right_logical3A_537 : vector<16xi32>
    %mul3A_539 = arith.constant 16 : i32
    %mul3A_540 = vector.broadcast %mul3A_539 : i32 to vector<16xi32>
    %mul3A_541 = arith.muli %shift_right_logical3A_538, %mul3A_540 : vector<16xi32>
    %gather3A_542 = tpu.vector_load_idx %arg7[%and3A_535] : memref<16xi32, #tpu.memory_space<vmem>>[vector<16xi32>], vector<16xi32>,
    %add3A_543 = arith.addi %mul3A_541, %gather3A_542 : vector<16xi32>
    %swap3A_544 = arith.constant 0 : i32
    %swap3A_545 = arith.index_cast %swap3A_544 : i32 to index
    %swap3A_546 = arith.constant 80 : index
    %swap3A_547 = tpu.vector_load %arg8[%swap3A_545, %swap3A_546] {strides = array<i32>} : memref<2x128xi32, #tpu.memory_space<vmem>>, vector<16xi32>,
    tpu.vector_store %arg8[%swap3A_545, %swap3A_546], %add3A_543 {strides = array<i32>} : memref<2x128xi32, #tpu.memory_space<vmem>>, vector<16xi32>,
    %add3A_548 = arith.constant 96 : i32
    %add3A_549 = arith.addi %mul3A_2, %add3A_548 : i32
    %add3A_550 = vector.broadcast %add3A_549 : i32 to vector<16xi32>
    %add3A_551 = arith.addi %add3A_550, %iota3A : vector<16xi32>
    %and3A_552 = arith.constant 7 : i32
    %and3A_553 = vector.broadcast %and3A_552 : i32 to vector<16xi32>
    %and3A_554 = arith.andi %add3A_551, %and3A_553 : vector<16xi32>
    %shift_right_logical3A_555 = arith.constant 3 : i32
    %shift_right_logical3A_556 = vector.broadcast %shift_right_logical3A_555 : i32 to vector<16xi32>
    %shift_right_logical3A_557 = arith.shrui %add3A_551, %shift_right_logical3A_556 : vector<16xi32>
    %mul3A_558 = arith.constant 16 : i32
    %mul3A_559 = vector.broadcast %mul3A_558 : i32 to vector<16xi32>
    %mul3A_560 = arith.muli %shift_right_logical3A_557, %mul3A_559 : vector<16xi32>
    %gather3A_561 = tpu.vector_load_idx %arg7[%and3A_554] : memref<16xi32, #tpu.memory_space<vmem>>[vector<16xi32>], vector<16xi32>,
    %add3A_562 = arith.addi %mul3A_560, %gather3A_561 : vector<16xi32>
    %swap3A_563 = arith.constant 0 : i32
    %swap3A_564 = arith.index_cast %swap3A_563 : i32 to index
    %swap3A_565 = arith.constant 96 : index
    %swap3A_566 = tpu.vector_load %arg8[%swap3A_564, %swap3A_565] {strides = array<i32>} : memref<2x128xi32, #tpu.memory_space<vmem>>, vector<16xi32>,
    tpu.vector_store %arg8[%swap3A_564, %swap3A_565], %add3A_562 {strides = array<i32>} : memref<2x128xi32, #tpu.memory_space<vmem>>, vector<16xi32>,
    %add3A_567 = arith.constant 112 : i32
    %add3A_568 = arith.addi %mul3A_2, %add3A_567 : i32
    %add3A_569 = vector.broadcast %add3A_568 : i32 to vector<16xi32>
    %add3A_570 = arith.addi %add3A_569, %iota3A : vector<16xi32>
    %and3A_571 = arith.constant 7 : i32
    %and3A_572 = vector.broadcast %and3A_571 : i32 to vector<16xi32>
    %and3A_573 = arith.andi %add3A_570, %and3A_572 : vector<16xi32>
    %shift_right_logical3A_574 = arith.constant 3 : i32
    %shift_right_logical3A_575 = vector.broadcast %shift_right_logical3A_574 : i32 to vector<16xi32>
    %shift_right_logical3A_576 = arith.shrui %add3A_570, %shift_right_logical3A_575 : vector<16xi32>
    %mul3A_577 = arith.constant 16 : i32
    %mul3A_578 = vector.broadcast %mul3A_577 : i32 to vector<16xi32>
    %mul3A_579 = arith.muli %shift_right_logical3A_576, %mul3A_578 : vector<16xi32>
    %gather3A_580 = tpu.vector_load_idx %arg7[%and3A_573] : memref<16xi32, #tpu.memory_space<vmem>>[vector<16xi32>], vector<16xi32>,
    %add3A_581 = arith.addi %mul3A_579, %gather3A_580 : vector<16xi32>
    %swap3A_582 = arith.constant 0 : i32
    %swap3A_583 = arith.index_cast %swap3A_582 : i32 to index
    %swap3A_584 = arith.constant 112 : index
    %swap3A_585 = tpu.vector_load %arg8[%swap3A_583, %swap3A_584] {strides = array<i32>} : memref<2x128xi32, #tpu.memory_space<vmem>>, vector<16xi32>,
    tpu.vector_store %arg8[%swap3A_583, %swap3A_584], %add3A_581 {strides = array<i32>} : memref<2x128xi32, #tpu.memory_space<vmem>>, vector<16xi32>,
    %add3A_586 = arith.constant 128 : i32
    %add3A_587 = arith.addi %mul3A_2, %add3A_586 : i32
    %add3A_588 = vector.broadcast %add3A_587 : i32 to vector<16xi32>
    %add3A_589 = arith.addi %add3A_588, %iota3A : vector<16xi32>
    %and3A_590 = arith.constant 7 : i32
    %and3A_591 = vector.broadcast %and3A_590 : i32 to vector<16xi32>
    %and3A_592 = arith.andi %add3A_589, %and3A_591 : vector<16xi32>
    %shift_right_logical3A_593 = arith.constant 3 : i32
    %shift_right_logical3A_594 = vector.broadcast %shift_right_logical3A_593 : i32 to vector<16xi32>
    %shift_right_logical3A_595 = arith.shrui %add3A_589, %shift_right_logical3A_594 : vector<16xi32>
    %mul3A_596 = arith.constant 16 : i32
    %mul3A_597 = vector.broadcast %mul3A_596 : i32 to vector<16xi32>
    %mul3A_598 = arith.muli %shift_right_logical3A_595, %mul3A_597 : vector<16xi32>
    %gather3A_599 = tpu.vector_load_idx %arg7[%and3A_592] : memref<16xi32, #tpu.memory_space<vmem>>[vector<16xi32>], vector<16xi32>,
    %add3A_600 = arith.addi %mul3A_598, %gather3A_599 : vector<16xi32>
    %swap3A_601 = arith.constant 1 : i32
    %swap3A_602 = arith.index_cast %swap3A_601 : i32 to index
    %swap3A_603 = arith.constant 0 : index
    %swap3A_604 = tpu.vector_load %arg8[%swap3A_602, %swap3A_603] {strides = array<i32>} : memref<2x128xi32, #tpu.memory_space<vmem>>, vector<16xi32>,
    tpu.vector_store %arg8[%swap3A_602, %swap3A_603], %add3A_600 {strides = array<i32>} : memref<2x128xi32, #tpu.memory_space<vmem>>, vector<16xi32>,
    %add3A_605 = arith.constant 144 : i32
    %add3A_606 = arith.addi %mul3A_2, %add3A_605 : i32
    %add3A_607 = vector.broadcast %add3A_606 : i32 to vector<16xi32>
    %add3A_608 = arith.addi %add3A_607, %iota3A : vector<16xi32>
    %and3A_609 = arith.constant 7 : i32
    %and3A_610 = vector.broadcast %and3A_609 : i32 to vector<16xi32>
    %and3A_611 = arith.andi %add3A_608, %and3A_610 : vector<16xi32>
    %shift_right_logical3A_612 = arith.constant 3 : i32
    %shift_right_logical3A_613 = vector.broadcast %shift_right_logical3A_612 : i32 to vector<16xi32>
    %shift_right_logical3A_614 = arith.shrui %add3A_608, %shift_right_logical3A_613 : vector<16xi32>
    %mul3A_615 = arith.constant 16 : i32
    %mul3A_616 = vector.broadcast %mul3A_615 : i32 to vector<16xi32>
    %mul3A_617 = arith.muli %shift_right_logical3A_614, %mul3A_616 : vector<16xi32>
    %gather3A_618 = tpu.vector_load_idx %arg7[%and3A_611] : memref<16xi32, #tpu.memory_space<vmem>>[vector<16xi32>], vector<16xi32>,
    %add3A_619 = arith.addi %mul3A_617, %gather3A_618 : vector<16xi32>
    %swap3A_620 = arith.constant 1 : i32
    %swap3A_621 = arith.index_cast %swap3A_620 : i32 to index
    %swap3A_622 = arith.constant 16 : index
    %swap3A_623 = tpu.vector_load %arg8[%swap3A_621, %swap3A_622] {strides = array<i32>} : memref<2x128xi32, #tpu.memory_space<vmem>>, vector<16xi32>,
    tpu.vector_store %arg8[%swap3A_621, %swap3A_622], %add3A_619 {strides = array<i32>} : memref<2x128xi32, #tpu.memory_space<vmem>>, vector<16xi32>,
    %add3A_624 = arith.constant 160 : i32
    %add3A_625 = arith.addi %mul3A_2, %add3A_624 : i32
    %add3A_626 = vector.broadcast %add3A_625 : i32 to vector<16xi32>
    %add3A_627 = arith.addi %add3A_626, %iota3A : vector<16xi32>
    %and3A_628 = arith.constant 7 : i32
    %and3A_629 = vector.broadcast %and3A_628 : i32 to vector<16xi32>
    %and3A_630 = arith.andi %add3A_627, %and3A_629 : vector<16xi32>
    %shift_right_logical3A_631 = arith.constant 3 : i32
    %shift_right_logical3A_632 = vector.broadcast %shift_right_logical3A_631 : i32 to vector<16xi32>
    %shift_right_logical3A_633 = arith.shrui %add3A_627, %shift_right_logical3A_632 : vector<16xi32>
    %mul3A_634 = arith.constant 16 : i32
    %mul3A_635 = vector.broadcast %mul3A_634 : i32 to vector<16xi32>
    %mul3A_636 = arith.muli %shift_right_logical3A_633, %mul3A_635 : vector<16xi32>
    %gather3A_637 = tpu.vector_load_idx %arg7[%and3A_630] : memref<16xi32, #tpu.memory_space<vmem>>[vector<16xi32>], vector<16xi32>,
    %add3A_638 = arith.addi %mul3A_636, %gather3A_637 : vector<16xi32>
    %swap3A_639 = arith.constant 1 : i32
    %swap3A_640 = arith.index_cast %swap3A_639 : i32 to index
    %swap3A_641 = arith.constant 32 : index
    %swap3A_642 = tpu.vector_load %arg8[%swap3A_640, %swap3A_641] {strides = array<i32>} : memref<2x128xi32, #tpu.memory_space<vmem>>, vector<16xi32>,
    tpu.vector_store %arg8[%swap3A_640, %swap3A_641], %add3A_638 {strides = array<i32>} : memref<2x128xi32, #tpu.memory_space<vmem>>, vector<16xi32>,
    %add3A_643 = arith.constant 176 : i32
    %add3A_644 = arith.addi %mul3A_2, %add3A_643 : i32
    %add3A_645 = vector.broadcast %add3A_644 : i32 to vector<16xi32>
    %add3A_646 = arith.addi %add3A_645, %iota3A : vector<16xi32>
    %and3A_647 = arith.constant 7 : i32
    %and3A_648 = vector.broadcast %and3A_647 : i32 to vector<16xi32>
    %and3A_649 = arith.andi %add3A_646, %and3A_648 : vector<16xi32>
    %shift_right_logical3A_650 = arith.constant 3 : i32
    %shift_right_logical3A_651 = vector.broadcast %shift_right_logical3A_650 : i32 to vector<16xi32>
    %shift_right_logical3A_652 = arith.shrui %add3A_646, %shift_right_logical3A_651 : vector<16xi32>
    %mul3A_653 = arith.constant 16 : i32
    %mul3A_654 = vector.broadcast %mul3A_653 : i32 to vector<16xi32>
    %mul3A_655 = arith.muli %shift_right_logical3A_652, %mul3A_654 : vector<16xi32>
    %gather3A_656 = tpu.vector_load_idx %arg7[%and3A_649] : memref<16xi32, #tpu.memory_space<vmem>>[vector<16xi32>], vector<16xi32>,
    %add3A_657 = arith.addi %mul3A_655, %gather3A_656 : vector<16xi32>
    %swap3A_658 = arith.constant 1 : i32
    %swap3A_659 = arith.index_cast %swap3A_658 : i32 to index
    %swap3A_660 = arith.constant 48 : index
    %swap3A_661 = tpu.vector_load %arg8[%swap3A_659, %swap3A_660] {strides = array<i32>} : memref<2x128xi32, #tpu.memory_space<vmem>>, vector<16xi32>,
    tpu.vector_store %arg8[%swap3A_659, %swap3A_660], %add3A_657 {strides = array<i32>} : memref<2x128xi32, #tpu.memory_space<vmem>>, vector<16xi32>,
    %add3A_662 = arith.constant 192 : i32
    %add3A_663 = arith.addi %mul3A_2, %add3A_662 : i32
    %add3A_664 = vector.broadcast %add3A_663 : i32 to vector<16xi32>
    %add3A_665 = arith.addi %add3A_664, %iota3A : vector<16xi32>
    %and3A_666 = arith.constant 7 : i32
    %and3A_667 = vector.broadcast %and3A_666 : i32 to vector<16xi32>
    %and3A_668 = arith.andi %add3A_665, %and3A_667 : vector<16xi32>
    %shift_right_logical3A_669 = arith.constant 3 : i32
    %shift_right_logical3A_670 = vector.broadcast %shift_right_logical3A_669 : i32 to vector<16xi32>
    %shift_right_logical3A_671 = arith.shrui %add3A_665, %shift_right_logical3A_670 : vector<16xi32>
    %mul3A_672 = arith.constant 16 : i32
    %mul3A_673 = vector.broadcast %mul3A_672 : i32 to vector<16xi32>
    %mul3A_674 = arith.muli %shift_right_logical3A_671, %mul3A_673 : vector<16xi32>
    %gather3A_675 = tpu.vector_load_idx %arg7[%and3A_668] : memref<16xi32, #tpu.memory_space<vmem>>[vector<16xi32>], vector<16xi32>,
    %add3A_676 = arith.addi %mul3A_674, %gather3A_675 : vector<16xi32>
    %swap3A_677 = arith.constant 1 : i32
    %swap3A_678 = arith.index_cast %swap3A_677 : i32 to index
    %swap3A_679 = arith.constant 64 : index
    %swap3A_680 = tpu.vector_load %arg8[%swap3A_678, %swap3A_679] {strides = array<i32>} : memref<2x128xi32, #tpu.memory_space<vmem>>, vector<16xi32>,
    tpu.vector_store %arg8[%swap3A_678, %swap3A_679], %add3A_676 {strides = array<i32>} : memref<2x128xi32, #tpu.memory_space<vmem>>, vector<16xi32>,
    %add3A_681 = arith.constant 208 : i32
    %add3A_682 = arith.addi %mul3A_2, %add3A_681 : i32
    %add3A_683 = vector.broadcast %add3A_682 : i32 to vector<16xi32>
    %add3A_684 = arith.addi %add3A_683, %iota3A : vector<16xi32>
    %and3A_685 = arith.constant 7 : i32
    %and3A_686 = vector.broadcast %and3A_685 : i32 to vector<16xi32>
    %and3A_687 = arith.andi %add3A_684, %and3A_686 : vector<16xi32>
    %shift_right_logical3A_688 = arith.constant 3 : i32
    %shift_right_logical3A_689 = vector.broadcast %shift_right_logical3A_688 : i32 to vector<16xi32>
    %shift_right_logical3A_690 = arith.shrui %add3A_684, %shift_right_logical3A_689 : vector<16xi32>
    %mul3A_691 = arith.constant 16 : i32
    %mul3A_692 = vector.broadcast %mul3A_691 : i32 to vector<16xi32>
    %mul3A_693 = arith.muli %shift_right_logical3A_690, %mul3A_692 : vector<16xi32>
    %gather3A_694 = tpu.vector_load_idx %arg7[%and3A_687] : memref<16xi32, #tpu.memory_space<vmem>>[vector<16xi32>], vector<16xi32>,
    %add3A_695 = arith.addi %mul3A_693, %gather3A_694 : vector<16xi32>
    %swap3A_696 = arith.constant 1 : i32
    %swap3A_697 = arith.index_cast %swap3A_696 : i32 to index
    %swap3A_698 = arith.constant 80 : index
    %swap3A_699 = tpu.vector_load %arg8[%swap3A_697, %swap3A_698] {strides = array<i32>} : memref<2x128xi32, #tpu.memory_space<vmem>>, vector<16xi32>,
    tpu.vector_store %arg8[%swap3A_697, %swap3A_698], %add3A_695 {strides = array<i32>} : memref<2x128xi32, #tpu.memory_space<vmem>>, vector<16xi32>,
    %add3A_700 = arith.constant 224 : i32
    %add3A_701 = arith.addi %mul3A_2, %add3A_700 : i32
    %add3A_702 = vector.broadcast %add3A_701 : i32 to vector<16xi32>
    %add3A_703 = arith.addi %add3A_702, %iota3A : vector<16xi32>
    %and3A_704 = arith.constant 7 : i32
    %and3A_705 = vector.broadcast %and3A_704 : i32 to vector<16xi32>
    %and3A_706 = arith.andi %add3A_703, %and3A_705 : vector<16xi32>
    %shift_right_logical3A_707 = arith.constant 3 : i32
    %shift_right_logical3A_708 = vector.broadcast %shift_right_logical3A_707 : i32 to vector<16xi32>
    %shift_right_logical3A_709 = arith.shrui %add3A_703, %shift_right_logical3A_708 : vector<16xi32>
    %mul3A_710 = arith.constant 16 : i32
    %mul3A_711 = vector.broadcast %mul3A_710 : i32 to vector<16xi32>
    %mul3A_712 = arith.muli %shift_right_logical3A_709, %mul3A_711 : vector<16xi32>
    %gather3A_713 = tpu.vector_load_idx %arg7[%and3A_706] : memref<16xi32, #tpu.memory_space<vmem>>[vector<16xi32>], vector<16xi32>,
    %add3A_714 = arith.addi %mul3A_712, %gather3A_713 : vector<16xi32>
    %swap3A_715 = arith.constant 1 : i32
    %swap3A_716 = arith.index_cast %swap3A_715 : i32 to index
    %swap3A_717 = arith.constant 96 : index
    %swap3A_718 = tpu.vector_load %arg8[%swap3A_716, %swap3A_717] {strides = array<i32>} : memref<2x128xi32, #tpu.memory_space<vmem>>, vector<16xi32>,
    tpu.vector_store %arg8[%swap3A_716, %swap3A_717], %add3A_714 {strides = array<i32>} : memref<2x128xi32, #tpu.memory_space<vmem>>, vector<16xi32>,
    %add3A_719 = arith.constant 240 : i32
    %add3A_720 = arith.addi %mul3A_2, %add3A_719 : i32
    %add3A_721 = vector.broadcast %add3A_720 : i32 to vector<16xi32>
    %add3A_722 = arith.addi %add3A_721, %iota3A : vector<16xi32>
    %and3A_723 = arith.constant 7 : i32
    %and3A_724 = vector.broadcast %and3A_723 : i32 to vector<16xi32>
    %and3A_725 = arith.andi %add3A_722, %and3A_724 : vector<16xi32>
    %shift_right_logical3A_726 = arith.constant 3 : i32
    %shift_right_logical3A_727 = vector.broadcast %shift_right_logical3A_726 : i32 to vector<16xi32>
    %shift_right_logical3A_728 = arith.shrui %add3A_722, %shift_right_logical3A_727 : vector<16xi32>
    %mul3A_729 = arith.constant 16 : i32
    %mul3A_730 = vector.broadcast %mul3A_729 : i32 to vector<16xi32>
    %mul3A_731 = arith.muli %shift_right_logical3A_728, %mul3A_730 : vector<16xi32>
    %gather3A_732 = tpu.vector_load_idx %arg7[%and3A_725] : memref<16xi32, #tpu.memory_space<vmem>>[vector<16xi32>], vector<16xi32>,
    %add3A_733 = arith.addi %mul3A_731, %gather3A_732 : vector<16xi32>
    %swap3A_734 = arith.constant 1 : i32
    %swap3A_735 = arith.index_cast %swap3A_734 : i32 to index
    %swap3A_736 = arith.constant 112 : index
    %swap3A_737 = tpu.vector_load %arg8[%swap3A_735, %swap3A_736] {strides = array<i32>} : memref<2x128xi32, #tpu.memory_space<vmem>>, vector<16xi32>,
    tpu.vector_store %arg8[%swap3A_735, %swap3A_736], %add3A_733 {strides = array<i32>} : memref<2x128xi32, #tpu.memory_space<vmem>>, vector<16xi32>,
    %dma_start3A = arith.constant 0 : i32
    %dma_start3A_738 = arith.constant 0 : i32
    %dma_start3A_739 = arith.constant 0 : i32
    %dma_start3A_740 = tpu.memref_slice %arg9[%dma_start3A_738, %dma_start3A_739] : memref<256x128xf32, #tpu.memory_space<vmem>> -> memref<128x128xf32, #tpu.memory_space<vmem>>
    %dma_start3A_741 = arith.constant 0 : i32
    %dma_start3A_742 = tpu.memref_slice %arg8[%dma_start3A, %dma_start3A_741] : memref<2x128xi32, #tpu.memory_space<vmem>> -> memref<1x128xi32, #tpu.memory_space<vmem>>
    %dma_start3A_743 = tpu.memref_squeeze %dma_start3A_742 : memref<1x128xi32, #tpu.memory_space<vmem>> -> memref<128xi32, #tpu.memory_space<vmem>>
    %dma_start3A_744 = arith.constant 0 : i32
    %dma_start3A_745 = arith.constant 0 : i32
    %dma_start3A_746 = tpu.memref_slice %arg2[%dma_start3A_744, %dma_start3A_745] : memref<16384x128xf32, #tpu.memory_space<hbm>> -> memref<16384x128xf32, #tpu.memory_space<hbm>>
    tpu.enqueue_indirect_dma source(%dma_start3A_746 : memref<16384x128xf32, #tpu.memory_space<hbm>>) target(%dma_start3A_740 : memref<128x128xf32, #tpu.memory_space<vmem>>) offsets(%dma_start3A_743 : memref<128xi32, #tpu.memory_space<vmem>>) semaphore(%arg10 : memref<!tpu.dma_semaphore, #tpu.memory_space<semaphore_mem>>)
    %dma_start3A_747 = arith.constant 1 : i32
    %dma_start3A_748 = arith.constant 128 : i32
    %dma_start3A_749 = arith.constant 0 : i32
    %dma_start3A_750 = tpu.memref_slice %arg9[%dma_start3A_748, %dma_start3A_749] : memref<256x128xf32, #tpu.memory_space<vmem>> -> memref<128x128xf32, #tpu.memory_space<vmem>>
    %dma_start3A_751 = arith.constant 0 : i32
    %dma_start3A_752 = tpu.memref_slice %arg8[%dma_start3A_747, %dma_start3A_751] : memref<2x128xi32, #tpu.memory_space<vmem>> -> memref<1x128xi32, #tpu.memory_space<vmem>>
    %dma_start3A_753 = tpu.memref_squeeze %dma_start3A_752 : memref<1x128xi32, #tpu.memory_space<vmem>> -> memref<128xi32, #tpu.memory_space<vmem>>
    %dma_start3A_754 = arith.constant 0 : i32
    %dma_start3A_755 = arith.constant 0 : i32
    %dma_start3A_756 = tpu.memref_slice %arg2[%dma_start3A_754, %dma_start3A_755] : memref<16384x128xf32, #tpu.memory_space<hbm>> -> memref<16384x128xf32, #tpu.memory_space<hbm>>
    tpu.enqueue_indirect_dma source(%dma_start3A_756 : memref<16384x128xf32, #tpu.memory_space<hbm>>) target(%dma_start3A_750 : memref<128x128xf32, #tpu.memory_space<vmem>>) offsets(%dma_start3A_753 : memref<128xi32, #tpu.memory_space<vmem>>) semaphore(%arg10 : memref<!tpu.dma_semaphore, #tpu.memory_space<semaphore_mem>>)
    %dma_wait3A = arith.constant 0 : i32
    %dma_wait3A_757 = arith.constant 0 : i32
    %dma_wait3A_758 = arith.constant 0 : i32
    %dma_wait3A_759 = tpu.memref_slice %arg9[%dma_wait3A_757, %dma_wait3A_758] : memref<256x128xf32, #tpu.memory_space<vmem>> -> memref<128x128xf32, #tpu.memory_space<vmem>>
    %dma_wait3A_760 = arith.constant 0 : i32
    %dma_wait3A_761 = tpu.memref_slice %arg8[%dma_wait3A, %dma_wait3A_760] : memref<2x128xi32, #tpu.memory_space<vmem>> -> memref<1x128xi32, #tpu.memory_space<vmem>>
    %dma_wait3A_762 = tpu.memref_squeeze %dma_wait3A_761 : memref<1x128xi32, #tpu.memory_space<vmem>> -> memref<128xi32, #tpu.memory_space<vmem>>
    %dma_wait3A_763 = arith.constant 0 : i32
    %dma_wait3A_764 = arith.constant 0 : i32
    %dma_wait3A_765 = tpu.memref_slice %arg2[%dma_wait3A_763, %dma_wait3A_764] : memref<16384x128xf32, #tpu.memory_space<hbm>> -> memref<16384x128xf32, #tpu.memory_space<hbm>>
    tpu.wait_indirect_dma semaphore(%arg10 : memref<!tpu.dma_semaphore, #tpu.memory_space<semaphore_mem>>) src(%dma_wait3A_765 : memref<16384x128xf32, #tpu.memory_space<hbm>>) dst(%dma_wait3A_759 : memref<128x128xf32, #tpu.memory_space<vmem>>)
    %dma_wait3A_766 = arith.constant 1 : i32
    %dma_wait3A_767 = arith.constant 128 : i32
    %dma_wait3A_768 = arith.constant 0 : i32
    %dma_wait3A_769 = tpu.memref_slice %arg9[%dma_wait3A_767, %dma_wait3A_768] : memref<256x128xf32, #tpu.memory_space<vmem>> -> memref<128x128xf32, #tpu.memory_space<vmem>>
    %dma_wait3A_770 = arith.constant 0 : i32
    %dma_wait3A_771 = tpu.memref_slice %arg8[%dma_wait3A_766, %dma_wait3A_770] : memref<2x128xi32, #tpu.memory_space<vmem>> -> memref<1x128xi32, #tpu.memory_space<vmem>>
    %dma_wait3A_772 = tpu.memref_squeeze %dma_wait3A_771 : memref<1x128xi32, #tpu.memory_space<vmem>> -> memref<128xi32, #tpu.memory_space<vmem>>
    %dma_wait3A_773 = arith.constant 0 : i32
    %dma_wait3A_774 = arith.constant 0 : i32
    %dma_wait3A_775 = tpu.memref_slice %arg2[%dma_wait3A_773, %dma_wait3A_774] : memref<16384x128xf32, #tpu.memory_space<hbm>> -> memref<16384x128xf32, #tpu.memory_space<hbm>>
    tpu.wait_indirect_dma semaphore(%arg10 : memref<!tpu.dma_semaphore, #tpu.memory_space<semaphore_mem>>) src(%dma_wait3A_775 : memref<16384x128xf32, #tpu.memory_space<hbm>>) dst(%dma_wait3A_769 : memref<128x128xf32, #tpu.memory_space<vmem>>)
    "tpu.region"() ({
      %run_scoped3A = tpu.sem_alloc : memref<!tpu.dma_semaphore, #tpu.memory_space<semaphore_mem>>
      %dma_start3A_776 = arith.constant 0 : i32
      %dma_start3A_777 = tpu.memref_slice %arg4[%mul3A_2, %dma_start3A_776] : memref<8192x128xf32, #tpu.memory_space<hbm>> -> memref<256x128xf32, #tpu.memory_space<hbm>>
      %dma_start3A_778 = arith.constant 0 : i32
      %dma_start3A_779 = tpu.memref_slice %arg4[%mul3A_2, %dma_start3A_778] : memref<8192x128xf32, #tpu.memory_space<hbm>> -> memref<256x128xf32, #tpu.memory_space<hbm>>
      tpu.enqueue_dma source(%arg9 : memref<256x128xf32, #tpu.memory_space<vmem>>) target(%dma_start3A_779 : memref<256x128xf32, #tpu.memory_space<hbm>>) target_semaphore(%run_scoped3A : memref<!tpu.dma_semaphore, #tpu.memory_space<semaphore_mem>>)
      %dma_wait3A_780 = arith.constant 0 : i32
      %dma_wait3A_781 = tpu.memref_slice %arg4[%mul3A_2, %dma_wait3A_780] : memref<8192x128xf32, #tpu.memory_space<hbm>> -> memref<256x128xf32, #tpu.memory_space<hbm>>
      %dma_wait3A_782 = arith.constant 0 : i32
      %dma_wait3A_783 = tpu.memref_slice %arg4[%mul3A_2, %dma_wait3A_782] : memref<8192x128xf32, #tpu.memory_space<hbm>> -> memref<256x128xf32, #tpu.memory_space<hbm>>
      tpu.wait_dma2 semaphore(%run_scoped3A : memref<!tpu.dma_semaphore, #tpu.memory_space<semaphore_mem>>) src(%arg9 : memref<256x128xf32, #tpu.memory_space<vmem>>) dst(%dma_wait3A_783 : memref<256x128xf32, #tpu.memory_space<hbm>>)
      tpu.yield
    }) : () -> ()
    return
  }
}

module attributes {stable_mosaic.version = 14 : i64} {
  func.func @_score_body(%arg0: i32, %arg1: memref<2048x128xf32, #tpu.memory_space<vmem>>, %arg2: memref<1x128xi32, #tpu.memory_space<vmem>>) attributes {dimension_semantics = [#tpu.dimension_semantics<arbitrary>], iteration_bounds = array<i64: 8>, scalar_prefetch = 0 : i64, scratch_operands = 0 : i64, tpu.core_type = #tpu.core_type<tc>, window_params = [{transform_indices = @transform_0, window_bounds = array<i64: 2048, 128>}, {pipeline_mode = #tpu.pipeline_mode<synchronous>, transform_indices = @transform_1, window_bounds = array<i64: 1, 128>}]} {
    %iota3A = tpu.iota {dimensions = array<i32: 0>} : vector<16x128xi32>
    %iota3A_0 = tpu.iota {dimensions = array<i32: 1>} : vector<16x128xi32>
    %jit3A = arith.constant 16 : i32
    %div3A = vector.broadcast %jit3A : i32 to vector<16x128xi32>
    %div3A_1 = arith.divsi %iota3A_0, %div3A : vector<16x128xi32>
    %sign3A = arith.constant 0 : i32
    %sign3A_2 = vector.broadcast %sign3A : i32 to vector<16x128xi32>
    %sign3A_3 = arith.cmpi sgt, %iota3A_0, %sign3A_2 : vector<16x128xi32>
    %sign3A_4 = arith.extui %sign3A_3 : vector<16x128xi1> to vector<16x128xi32>
    %sign3A_5 = arith.constant 0 : i32
    %sign3A_6 = vector.broadcast %sign3A_5 : i32 to vector<16x128xi32>
    %sign3A_7 = arith.cmpi slt, %iota3A_0, %sign3A_6 : vector<16x128xi32>
    %sign3A_8 = arith.extui %sign3A_7 : vector<16x128xi1> to vector<16x128xi32>
    %sign3A_9 = arith.subi %sign3A_4, %sign3A_8 : vector<16x128xi32>
    %sign3A_10 = arith.constant 0 : i32
    %sign3A_11 = arith.cmpi sgt, %jit3A, %sign3A_10 : i32
    %sign3A_12 = arith.extui %sign3A_11 : i1 to i32
    %sign3A_13 = arith.constant 0 : i32
    %sign3A_14 = arith.cmpi slt, %jit3A, %sign3A_13 : i32
    %sign3A_15 = arith.extui %sign3A_14 : i1 to i32
    %sign3A_16 = arith.subi %sign3A_12, %sign3A_15 : i32
    %ne3A = vector.broadcast %sign3A_16 : i32 to vector<16x128xi32>
    %ne3A_17 = arith.cmpi ne, %sign3A_9, %ne3A : vector<16x128xi32>
    %rem3A = vector.broadcast %jit3A : i32 to vector<16x128xi32>
    %rem3A_18 = arith.remsi %iota3A_0, %rem3A : vector<16x128xi32>
    %ne3A_19 = arith.constant 0 : i32
    %ne3A_20 = vector.broadcast %ne3A_19 : i32 to vector<16x128xi32>
    %ne3A_21 = arith.cmpi ne, %rem3A_18, %ne3A_20 : vector<16x128xi32>
    %and3A = arith.andi %ne3A_17, %ne3A_21 : vector<16x128xi1>
    %sub3A = arith.constant 1 : i32
    %sub3A_22 = vector.broadcast %sub3A : i32 to vector<16x128xi32>
    %sub3A_23 = arith.subi %div3A_1, %sub3A_22 : vector<16x128xi32>
    %select_n3A = arith.select %and3A, %sub3A_23, %div3A_1 : vector<16x128xi1>, vector<16x128xi32>
    %add3A = arith.constant 1 : i32
    %add3A_24 = vector.broadcast %add3A : i32 to vector<16x128xi32>
    %add3A_25 = arith.addi %select_n3A, %add3A_24 : vector<16x128xi32>
    %jit3A_26 = arith.constant 16 : i32
    %eq3A = arith.constant 0 : i32
    %eq3A_27 = arith.cmpi eq, %jit3A_26, %eq3A : i32
    %jit3A_28 = arith.constant 1 : i32
    %select_n3A_29 = arith.select %eq3A_27, %jit3A_28, %jit3A_26 : i32
    %rem3A_30 = vector.broadcast %select_n3A_29 : i32 to vector<16x128xi32>
    %rem3A_31 = arith.remsi %iota3A_0, %rem3A_30 : vector<16x128xi32>
    %ne3A_32 = arith.constant 0 : i32
    %ne3A_33 = vector.broadcast %ne3A_32 : i32 to vector<16x128xi32>
    %ne3A_34 = arith.cmpi ne, %rem3A_31, %ne3A_33 : vector<16x128xi32>
    %lt3A = arith.constant 0 : i32
    %lt3A_35 = vector.broadcast %lt3A : i32 to vector<16x128xi32>
    %lt3A_36 = arith.cmpi slt, %rem3A_31, %lt3A_35 : vector<16x128xi32>
    %lt3A_37 = arith.constant 0 : i32
    %lt3A_38 = arith.cmpi slt, %select_n3A_29, %lt3A_37 : i32
    %ne3A_39 = vector.broadcast %lt3A_38 : i1 to vector<16x128xi1>
    %ne3A_40 = vector.broadcast %ne3A_39 : vector<16x128xi1> to vector<16x128xi1>
    %ne3A_41 = arith.xori %lt3A_36, %ne3A_40 : vector<16x128xi1>
    %and3A_42 = arith.andi %ne3A_41, %ne3A_34 : vector<16x128xi1>
    %add3A_43 = vector.broadcast %select_n3A_29 : i32 to vector<16x128xi32>
    %add3A_44 = arith.addi %rem3A_31, %add3A_43 : vector<16x128xi32>
    %select_n3A_45 = arith.select %and3A_42, %add3A_44, %rem3A_31 : vector<16x128xi1>, vector<16x128xi32>
    %add3A_46 = arith.addi %select_n3A_45, %add3A_25 : vector<16x128xi32>
    %jit3A_47 = arith.constant 16 : i32
    %eq3A_48 = arith.constant 0 : i32
    %eq3A_49 = arith.cmpi eq, %jit3A_47, %eq3A_48 : i32
    %jit3A_50 = arith.constant 1 : i32
    %select_n3A_51 = arith.select %eq3A_49, %jit3A_50, %jit3A_47 : i32
    %rem3A_52 = vector.broadcast %select_n3A_51 : i32 to vector<16x128xi32>
    %rem3A_53 = arith.remsi %add3A_46, %rem3A_52 : vector<16x128xi32>
    %ne3A_54 = arith.constant 0 : i32
    %ne3A_55 = vector.broadcast %ne3A_54 : i32 to vector<16x128xi32>
    %ne3A_56 = arith.cmpi ne, %rem3A_53, %ne3A_55 : vector<16x128xi32>
    %lt3A_57 = arith.constant 0 : i32
    %lt3A_58 = vector.broadcast %lt3A_57 : i32 to vector<16x128xi32>
    %lt3A_59 = arith.cmpi slt, %rem3A_53, %lt3A_58 : vector<16x128xi32>
    %lt3A_60 = arith.constant 0 : i32
    %lt3A_61 = arith.cmpi slt, %select_n3A_51, %lt3A_60 : i32
    %ne3A_62 = vector.broadcast %lt3A_61 : i1 to vector<16x128xi1>
    %ne3A_63 = vector.broadcast %ne3A_62 : vector<16x128xi1> to vector<16x128xi1>
    %ne3A_64 = arith.xori %lt3A_59, %ne3A_63 : vector<16x128xi1>
    %and3A_65 = arith.andi %ne3A_64, %ne3A_56 : vector<16x128xi1>
    %add3A_66 = vector.broadcast %select_n3A_51 : i32 to vector<16x128xi32>
    %add3A_67 = arith.addi %rem3A_53, %add3A_66 : vector<16x128xi32>
    %select_n3A_68 = arith.select %and3A_65, %add3A_67, %rem3A_53 : vector<16x128xi1>, vector<16x128xi32>
    %eq3A_69 = arith.cmpi eq, %iota3A, %select_n3A_45 : vector<16x128xi32>
    %convert_element_type3A = arith.extui %eq3A_69 : vector<16x128xi1> to vector<16x128xi32>
    %convert_element_type3A_70 = arith.sitofp %convert_element_type3A : vector<16x128xi32> to vector<16x128xf32>
    %eq3A_71 = arith.cmpi eq, %iota3A, %select_n3A_68 : vector<16x128xi32>
    %convert_element_type3A_72 = arith.extui %eq3A_71 : vector<16x128xi1> to vector<16x128xi32>
    %convert_element_type3A_73 = arith.sitofp %convert_element_type3A_72 : vector<16x128xi32> to vector<16x128xf32>
    %iota3A_74 = tpu.iota {dimensions = array<i32: 1>} : vector<1x128xi32>
    %jit3A_75 = arith.constant 16 : i32
    %eq3A_76 = arith.constant 0 : i32
    %eq3A_77 = arith.cmpi eq, %jit3A_75, %eq3A_76 : i32
    %jit3A_78 = arith.constant 1 : i32
    %select_n3A_79 = arith.select %eq3A_77, %jit3A_78, %jit3A_75 : i32
    %rem3A_80 = vector.broadcast %select_n3A_79 : i32 to vector<1x128xi32>
    %rem3A_81 = arith.remsi %iota3A_74, %rem3A_80 : vector<1x128xi32>
    %ne3A_82 = arith.constant 0 : i32
    %ne3A_83 = vector.broadcast %ne3A_82 : i32 to vector<1x128xi32>
    %ne3A_84 = arith.cmpi ne, %rem3A_81, %ne3A_83 : vector<1x128xi32>
    %lt3A_85 = arith.constant 0 : i32
    %lt3A_86 = vector.broadcast %lt3A_85 : i32 to vector<1x128xi32>
    %lt3A_87 = arith.cmpi slt, %rem3A_81, %lt3A_86 : vector<1x128xi32>
    %lt3A_88 = arith.constant 0 : i32
    %lt3A_89 = arith.cmpi slt, %select_n3A_79, %lt3A_88 : i32
    %ne3A_90 = vector.broadcast %lt3A_89 : i1 to vector<1x128xi1>
    %ne3A_91 = vector.broadcast %ne3A_90 : vector<1x128xi1> to vector<1x128xi1>
    %ne3A_92 = arith.xori %lt3A_87, %ne3A_91 : vector<1x128xi1>
    %and3A_93 = arith.andi %ne3A_92, %ne3A_84 : vector<1x128xi1>
    %add3A_94 = vector.broadcast %select_n3A_79 : i32 to vector<1x128xi32>
    %add3A_95 = arith.addi %rem3A_81, %add3A_94 : vector<1x128xi32>
    %select_n3A_96 = arith.select %and3A_93, %add3A_95, %rem3A_81 : vector<1x128xi1>, vector<1x128xi32>
    %jit3A_97 = arith.constant 16 : i32
    %eq3A_98 = arith.constant 0 : i32
    %eq3A_99 = arith.cmpi eq, %jit3A_97, %eq3A_98 : i32
    %jit3A_100 = arith.constant 1 : i32
    %select_n3A_101 = arith.select %eq3A_99, %jit3A_100, %jit3A_97 : i32
    %rem3A_102 = vector.broadcast %select_n3A_101 : i32 to vector<1x128xi32>
    %rem3A_103 = arith.remsi %iota3A_74, %rem3A_102 : vector<1x128xi32>
    %ne3A_104 = arith.constant 0 : i32
    %ne3A_105 = vector.broadcast %ne3A_104 : i32 to vector<1x128xi32>
    %ne3A_106 = arith.cmpi ne, %rem3A_103, %ne3A_105 : vector<1x128xi32>
    %lt3A_107 = arith.constant 0 : i32
    %lt3A_108 = vector.broadcast %lt3A_107 : i32 to vector<1x128xi32>
    %lt3A_109 = arith.cmpi slt, %rem3A_103, %lt3A_108 : vector<1x128xi32>
    %lt3A_110 = arith.constant 0 : i32
    %lt3A_111 = arith.cmpi slt, %select_n3A_101, %lt3A_110 : i32
    %ne3A_112 = vector.broadcast %lt3A_111 : i1 to vector<1x128xi1>
    %ne3A_113 = vector.broadcast %ne3A_112 : vector<1x128xi1> to vector<1x128xi1>
    %ne3A_114 = arith.xori %lt3A_109, %ne3A_113 : vector<1x128xi1>
    %and3A_115 = arith.andi %ne3A_114, %ne3A_106 : vector<1x128xi1>
    %add3A_116 = vector.broadcast %select_n3A_101 : i32 to vector<1x128xi32>
    %add3A_117 = arith.addi %rem3A_103, %add3A_116 : vector<1x128xi32>
    %select_n3A_118 = arith.select %and3A_115, %add3A_117, %rem3A_103 : vector<1x128xi1>, vector<1x128xi32>
    %jit3A_119 = arith.constant 16 : i32
    %div3A_120 = vector.broadcast %jit3A_119 : i32 to vector<1x128xi32>
    %div3A_121 = arith.divsi %iota3A_74, %div3A_120 : vector<1x128xi32>
    %sign3A_122 = arith.constant 0 : i32
    %sign3A_123 = vector.broadcast %sign3A_122 : i32 to vector<1x128xi32>
    %sign3A_124 = arith.cmpi sgt, %iota3A_74, %sign3A_123 : vector<1x128xi32>
    %sign3A_125 = arith.extui %sign3A_124 : vector<1x128xi1> to vector<1x128xi32>
    %sign3A_126 = arith.constant 0 : i32
    %sign3A_127 = vector.broadcast %sign3A_126 : i32 to vector<1x128xi32>
    %sign3A_128 = arith.cmpi slt, %iota3A_74, %sign3A_127 : vector<1x128xi32>
    %sign3A_129 = arith.extui %sign3A_128 : vector<1x128xi1> to vector<1x128xi32>
    %sign3A_130 = arith.subi %sign3A_125, %sign3A_129 : vector<1x128xi32>
    %sign3A_131 = arith.constant 0 : i32
    %sign3A_132 = arith.cmpi sgt, %jit3A_119, %sign3A_131 : i32
    %sign3A_133 = arith.extui %sign3A_132 : i1 to i32
    %sign3A_134 = arith.constant 0 : i32
    %sign3A_135 = arith.cmpi slt, %jit3A_119, %sign3A_134 : i32
    %sign3A_136 = arith.extui %sign3A_135 : i1 to i32
    %sign3A_137 = arith.subi %sign3A_133, %sign3A_136 : i32
    %ne3A_138 = vector.broadcast %sign3A_137 : i32 to vector<1x128xi32>
    %ne3A_139 = arith.cmpi ne, %sign3A_130, %ne3A_138 : vector<1x128xi32>
    %rem3A_140 = vector.broadcast %jit3A_119 : i32 to vector<1x128xi32>
    %rem3A_141 = arith.remsi %iota3A_74, %rem3A_140 : vector<1x128xi32>
    %ne3A_142 = arith.constant 0 : i32
    %ne3A_143 = vector.broadcast %ne3A_142 : i32 to vector<1x128xi32>
    %ne3A_144 = arith.cmpi ne, %rem3A_141, %ne3A_143 : vector<1x128xi32>
    %and3A_145 = arith.andi %ne3A_139, %ne3A_144 : vector<1x128xi1>
    %sub3A_146 = arith.constant 1 : i32
    %sub3A_147 = vector.broadcast %sub3A_146 : i32 to vector<1x128xi32>
    %sub3A_148 = arith.subi %div3A_121, %sub3A_147 : vector<1x128xi32>
    %select_n3A_149 = arith.select %and3A_145, %sub3A_148, %div3A_121 : vector<1x128xi1>, vector<1x128xi32>
    %add3A_150 = arith.addi %select_n3A_118, %select_n3A_149 : vector<1x128xi32>
    %add3A_151 = arith.constant 1 : i32
    %add3A_152 = vector.broadcast %add3A_151 : i32 to vector<1x128xi32>
    %add3A_153 = arith.addi %add3A_150, %add3A_152 : vector<1x128xi32>
    %jit3A_154 = arith.constant 16 : i32
    %eq3A_155 = arith.constant 0 : i32
    %eq3A_156 = arith.cmpi eq, %jit3A_154, %eq3A_155 : i32
    %jit3A_157 = arith.constant 1 : i32
    %select_n3A_158 = arith.select %eq3A_156, %jit3A_157, %jit3A_154 : i32
    %rem3A_159 = vector.broadcast %select_n3A_158 : i32 to vector<1x128xi32>
    %rem3A_160 = arith.remsi %add3A_153, %rem3A_159 : vector<1x128xi32>
    %ne3A_161 = arith.constant 0 : i32
    %ne3A_162 = vector.broadcast %ne3A_161 : i32 to vector<1x128xi32>
    %ne3A_163 = arith.cmpi ne, %rem3A_160, %ne3A_162 : vector<1x128xi32>
    %lt3A_164 = arith.constant 0 : i32
    %lt3A_165 = vector.broadcast %lt3A_164 : i32 to vector<1x128xi32>
    %lt3A_166 = arith.cmpi slt, %rem3A_160, %lt3A_165 : vector<1x128xi32>
    %lt3A_167 = arith.constant 0 : i32
    %lt3A_168 = arith.cmpi slt, %select_n3A_158, %lt3A_167 : i32
    %ne3A_169 = vector.broadcast %lt3A_168 : i1 to vector<1x128xi1>
    %ne3A_170 = vector.broadcast %ne3A_169 : vector<1x128xi1> to vector<1x128xi1>
    %ne3A_171 = arith.xori %lt3A_166, %ne3A_170 : vector<1x128xi1>
    %and3A_172 = arith.andi %ne3A_171, %ne3A_163 : vector<1x128xi1>
    %add3A_173 = vector.broadcast %select_n3A_158 : i32 to vector<1x128xi32>
    %add3A_174 = arith.addi %rem3A_160, %add3A_173 : vector<1x128xi32>
    %select_n3A_175 = arith.select %and3A_172, %add3A_174, %rem3A_160 : vector<1x128xi1>, vector<1x128xi32>
    %lt3A_176 = arith.cmpi slt, %select_n3A_96, %select_n3A_175 : vector<1x128xi32>
    %get3A = arith.constant 0 : index
    %get3A_177 = arith.constant 0 : index
    %get3A_178 = vector.load %arg1[%get3A, %get3A_177] : memref<2048x128xf32, #tpu.memory_space<vmem>>, vector<2048x128xf32>
    %reshape3A = vector.shape_cast %get3A_178 : vector<2048x128xf32> to vector<128x16x128xf32>
    %dot_general3A = arith.constant dense<0.000000e+00> : vector<128x16x16xf32>
    %dot_general3A_179 = tpu.matmul %reshape3A, %reshape3A, %dot_general3A {dimension_numbers = #tpu.dot_dimension_numbers<[2], [2], [1], [1], [0, 0, 0, 1, 1, 1], [0], [0]>, transpose_lhs_hint = false} : vector<128x16x128xf32>, vector<128x16x128xf32>, vector<128x16x16xf32> -> vector<128x16x16xf32>
    %reshape3A_180 = vector.shape_cast %dot_general3A_179 : vector<128x16x16xf32> to vector<2048x16xf32>
    %dot_general3A_181 = arith.constant dense<0.000000e+00> : vector<2048x128xf32>
    %dot_general3A_182 = tpu.matmul %reshape3A_180, %convert_element_type3A_70, %dot_general3A_181 {dimension_numbers = #tpu.dot_dimension_numbers<[1], [0], [0], [1], [0, 0, 1, 1], [], []>, precision = #tpu.contract_precision<fp32>, transpose_lhs_hint = false} : vector<2048x16xf32>, vector<16x128xf32>, vector<2048x128xf32> -> vector<2048x128xf32>
    %dot_general3A_183 = arith.constant dense<0.000000e+00> : vector<2048x128xf32>
    %dot_general3A_184 = tpu.matmul %reshape3A_180, %convert_element_type3A_73, %dot_general3A_183 {dimension_numbers = #tpu.dot_dimension_numbers<[1], [0], [0], [1], [0, 0, 1, 1], [], []>, precision = #tpu.contract_precision<fp32>, transpose_lhs_hint = false} : vector<2048x16xf32>, vector<16x128xf32>, vector<2048x128xf32> -> vector<2048x128xf32>
    %lt3A_185 = arith.cmpf olt, %dot_general3A_182, %dot_general3A_184 : vector<2048x128xf32>
    %eq3A_186 = arith.cmpf oeq, %dot_general3A_182, %dot_general3A_184 : vector<2048x128xf32>
    %and3A_187 = vector.broadcast %lt3A_176 : vector<1x128xi1> to vector<2048x128xi1>
    %and3A_188 = arith.andi %eq3A_186, %and3A_187 : vector<2048x128xi1>
    %or3A = arith.ori %lt3A_185, %and3A_188 : vector<2048x128xi1>
    %convert_element_type3A_189 = arith.extui %or3A : vector<2048x128xi1> to vector<2048x128xi32>
    %reduce_sum3A = arith.constant dense<0> : vector<128xi32>
    %reduce_sum3A_190 = vector.multi_reduction <add>, %convert_element_type3A_189, %reduce_sum3A [0] : vector<2048x128xi32> to vector<128xi32>
    %eq3A_191 = arith.constant 0 : i32
    %eq3A_192 = arith.cmpi eq, %arg0, %eq3A_191 : i32
    %convert_element_type3A_193 = arith.extui %eq3A_192 : i1 to i32
    %cond3A = arith.constant 0 : i32
    %cond3A_194 = arith.cmpi ne, %convert_element_type3A_193, %cond3A : i32
    scf.if %cond3A_194 {
      %broadcast_in_dim3A_201 = arith.constant 0 : i32
      %broadcast_in_dim3A_202 = vector.broadcast %broadcast_in_dim3A_201 : i32 to vector<1x128xi32>
      %swap3A_203 = arith.constant 0 : index
      %swap3A_204 = arith.constant 0 : index
      %swap3A_205 = vector.load %arg2[%swap3A_203, %swap3A_204] : memref<1x128xi32, #tpu.memory_space<vmem>>, vector<1x128xi32>
      tpu.vector_store %arg2[%swap3A_203, %swap3A_204], %broadcast_in_dim3A_202 {strides = array<i32>} : memref<1x128xi32, #tpu.memory_space<vmem>>, vector<1x128xi32>,
    } else {
    }
    %get3A_195 = arith.constant 0 : index
    %get3A_196 = arith.constant 0 : index
    %get3A_197 = vector.load %arg2[%get3A_195, %get3A_196] : memref<1x128xi32, #tpu.memory_space<vmem>>, vector<1x128xi32>
    %broadcast_in_dim3A = vector.shape_cast %reduce_sum3A_190 : vector<128xi32> to vector<1x128xi32>
    %add3A_198 = arith.addi %get3A_197, %broadcast_in_dim3A : vector<1x128xi32>
    %swap3A = arith.constant 0 : index
    %swap3A_199 = arith.constant 0 : index
    %swap3A_200 = vector.load %arg2[%swap3A, %swap3A_199] : memref<1x128xi32, #tpu.memory_space<vmem>>, vector<1x128xi32>
    tpu.vector_store %arg2[%swap3A, %swap3A_199], %add3A_198 {strides = array<i32>} : memref<1x128xi32, #tpu.memory_space<vmem>>, vector<1x128xi32>,
    return
  }
  func.func @transform_0(%arg0: i32) -> (i32, i32) {
    %c0_i32 = arith.constant 0 : i32
    %c0_i32_0 = arith.constant 0 : i32
    return %arg0, %c0_i32 : i32, i32
  }
  func.func @transform_1(%arg0: i32) -> (i32, i32) {
    %c0_i32 = arith.constant 0 : i32
    %c0_i32_0 = arith.constant 0 : i32
    %c0_i32_1 = arith.constant 0 : i32
    return %c0_i32, %c0_i32_0 : i32, i32
  }
}

</mosaic_0001>

<sc_bundles>
// kernel: kernel.4.cloned.1.call-start
scs
__scs_entry_jumppad:
0x0: {  	(pc) =	sbr.rel $0x88, $3  }
0x1: {  	(tag) =	ssettag $0x0;
	lr =	simm.s32 $0x1  }
0x2: {  	[smem:$0x3FA0] =	sst lr;
	_ =	strace $0xD0000000  }
0x3: {  	_ = 	snop  }
0x4: {  	_ = 	snop  }
0x5: {  	_ = 	snop  }
0x6: {  	_ = 	snop  }
0x7: {  	_ = 	snop  }
__scs_overlays_trampoline_lowered:
0x8: {  	[smem:$0x3FAF] =	sst s0  }
0x9: {  	[smem:$0x3FB0] =	sst s1  }
0xa: {  	[smem:$0x3FB1] =	sst s2  }
0xb: {  	[smem:$0x3FB2] =	sst s3  }
0xc: {  	[smem:$0x3FB3] =	sst s4  }
0xd: {  	[smem:$0x3FB4] =	sst s5  }
0xe: {  	[smem:$0x3FB5] =	sst s6  }
0xf: {  	[smem:$0x3FB6] =	sst s7  }
0x10: {  	[smem:$0x3FB7] =	sst s8  }
0x11: {  	[smem:$0x3FB8] =	sst s9;
	s0 =	simm.s32 @!p0 $0x0  }
0x12: {  	s1 =	sld [smem:$0x3F9E];
	s0 =	simm.s32 @p0 $0x1  }
0x13: {  	[smem:$0x3FB9] =	sst s0;
	s0 =	simm.s32 @!p1 $0x0  }
0x14: {  	s2 =	sld [smem:$0x3F9D];
	s0 =	simm.s32 @p1 $0x1  }
0x15: {  	[smem:$0x3FBA] =	sst s0;
	s0 =	simm.s32 @!p2 $0x0  }
0x16: {  	s3 =	sld [smem:$0x3FDB];
	s0 =	simm.s32 @p2 $0x1  }
0x17: {  	s4 =	simm.s32 $0x1BF5;
	[smem:$0x3FBC] =	sst s0  }
0x18: {  	s0 =	sld [smem:$0x3F9F];
	_ =	swait.ge [sflag:s4], $0x0  }
0x19: {  	s7 =	sld [smem:$0x3FA0]  }
0x1a: {  	s8 =	sadd.s32 $0xFFFFE003, lr  }
0x1b: {  	s9 =	sadd.s32 $0xFFFFFEF7, lr;
	s5 =	simm.s32 $0xFFFFFFFF;
	p2 =	slt.u32 s8, $0xFFFFF086  }
0x1c: {  	p1 =	slt.u32 s9, $0xF7A;
	s5 =	simm.s32 @!p2 $0x0  }
0x1d: {  	s5 =	simm.s32 @p1 $0x1;
	p0 =	seq.s32 s7, s2  }
0x1e: {  	s7 =	smul.u32 @!p0 $0xF7A, s2;
	p2 =	seq.s32 @!p0 s5, $0x0  }
0x1f: {  	s9 =	smul.u32 $0xF7A, s1;
	s8 =	simm.s32 @!p0 $0x1BF5;
	p2 =	por !p2, p0  }
0x20: {  	[sflag:s8] =	ssyncset.s32 @!p0 $0xFFFFF086;
	s6 =	sadd.s32 @!p0 s3, s7;
	s7 =	simm.s32 @!p0 $0x108  }
0x21: {  	s3 =	sadd.s32 s3, s9;
	s6 =	sadd.s32 @!p0 $0x88, s6;
	s7 =	simm.s32 @p2 $0x1082  }
0x22: {  	[simem:s7], [sflag:s8] =	dma.local @!p0 [hbm:s6], $0xF7A  }
0x23: {  	s9 =	sor.u32 $0xD0000000, s2;
	s6 =	simm.s32 $0x108;
	_ =	swait.ge @!p0 [sflag:s8], $0x0  }
0x24: {  	s3 =	sadd.s32 $0x88, s3;
	s6 =	simm.s32 @!p1 $0x1082;
	[sflag:s4] =	ssyncset.s32 $0xFFFFF086  }
0x25: {  	[simem:s6], [sflag:s4] =	dma.local [hbm:s3], $0xF7A  }
0x26: {  	[smem:$0x3FA0] =	sst s1;
	(tag) =	ssettag s2;
	_ =	strace s9  }
0x27: {  	s1 =	sld [smem:$0x3FB0]  }
0x28: {  	s2 =	sld [smem:$0x3FB1]  }
0x29: {  	s4 =	sld [smem:$0x3FB3]  }
0x2a: {  	p0 =	seq.s32 s5, $0x0;
	s5 =	sld [smem:$0x3FB4]  }
0x2b: {  	s6 =	sld [smem:$0x3FB5]  }
0x2c: {  	s7 =	sld [smem:$0x3FB6]  }
0x2d: {  	s3 =	simm.s32 $0x108;
	s8 =	sld [smem:$0x3FB7]  }
0x2e: {  	s3 =	simm.s32 @!p0 $0x1082;
	s9 =	sld [smem:$0x3FB8]  }
0x2f: {  	lr =	sadd.s32 s0, s3;
	s0 =	sld [smem:$0x3FAF]  }
0x30: {  	s3 =	sld [smem:$0x3FB2]  }
0x31: {  	[smem:$0x3FBB] =	sst s10  }
0x32: {  	s10 =	sld [smem:$0x3FB9];
	_ =	sdelay $0x3  }
0x33: {  	p0 =	seq.s32 s10, $0x1;
	s10 =	sld [smem:$0x3FBB];
	_ =	sdelay $0x3  }
0x34: {  	[smem:$0x3FBB] =	sst s10  }
0x35: {  	s10 =	sld [smem:$0x3FBA];
	_ =	sdelay $0x3  }
0x36: {  	p1 =	seq.s32 s10, $0x1;
	s10 =	sld [smem:$0x3FBB];
	_ =	sdelay $0x3  }
0x37: {  	[smem:$0x3FBB] =	sst s10  }
0x38: {  	s10 =	sld [smem:$0x3FBC]  }
0x39: {  	_ = 	snop;
	(pc) =	sbr.ind lr, $3  }
0x3a: {  	_ = 	snop  }
0x3b: {  	_ = 	snop  }
0x3c: {  	p2 =	seq.s32 s10, $0x1;
	s10 =	sld [smem:$0x3FBB]  }
0x3d: {  	_ =	shalt  }
0x3e: {  	_ =	shalt  }
0x3f: {  	_ =	shalt  }
0x40: {  	_ =	shalt  }
0x41: {  	_ =	shalt  }
0x42: {  	_ =	shalt  }
0x43: {  	_ =	shalt  }
0x44: {  	_ =	shalt  }
0x45: {  	_ =	shalt  }
0x46: {  	_ =	shalt  }
0x47: {  	_ =	shalt  }
0x48: {  	_ =	shalt  }
0x49: {  	_ =	shalt  }
0x4a: {  	_ =	shalt  }
0x4b: {  	_ =	shalt  }
0x4c: {  	_ =	shalt  }
0x4d: {  	_ =	shalt  }
0x4e: {  	_ =	shalt  }
0x4f: {  	_ =	shalt  }
0x50: {  	_ =	shalt  }
0x51: {  	_ =	shalt  }
0x52: {  	_ =	shalt  }
0x53: {  	_ =	shalt  }
0x54: {  	_ =	shalt  }
0x55: {  	_ =	shalt  }
0x56: {  	_ =	shalt  }
0x57: {  	_ =	shalt  }
0x58: {  	_ =	shalt  }
0x59: {  	_ =	shalt  }
0x5a: {  	_ =	shalt  }
0x5b: {  	_ =	shalt  }
0x5c: {  	_ =	shalt  }
0x5d: {  	_ =	shalt  }
0x5e: {  	_ =	shalt  }
0x5f: {  	_ =	shalt  }
0x60: {  	_ =	shalt  }
0x61: {  	_ =	shalt  }
0x62: {  	_ =	shalt  }
0x63: {  	_ =	shalt  }
0x64: {  	_ =	shalt  }
0x65: {  	_ =	shalt  }
0x66: {  	_ =	shalt  }
0x67: {  	_ =	shalt  }
0x68: {  	_ =	shalt  }
0x69: {  	_ =	shalt  }
0x6a: {  	_ =	shalt  }
0x6b: {  	_ =	shalt  }
0x6c: {  	_ =	shalt  }
0x6d: {  	_ =	shalt  }
0x6e: {  	_ =	shalt  }
0x6f: {  	_ =	shalt  }
0x70: {  	_ =	shalt  }
0x71: {  	_ =	shalt  }
0x72: {  	_ =	shalt  }
0x73: {  	_ =	shalt  }
0x74: {  	_ =	shalt  }
0x75: {  	_ =	shalt  }
0x76: {  	_ =	shalt  }
0x77: {  	_ =	shalt  }
0x78: {  	_ =	shalt  }
0x79: {  	_ =	shalt  }
0x7a: {  	_ =	shalt  }
0x7b: {  	_ =	shalt  }
0x7c: {  	_ =	shalt  }
0x7d: {  	_ =	shalt  }
0x7e: {  	_ =	shalt  }
0x7f: {  	_ =	shalt  }
0x80: {  	_ =	shalt  }
0x81: {  	_ =	shalt  }
0x82: {  	_ =	shalt  }
0x83: {  	_ =	shalt  }
0x84: {  	_ =	shalt  }
0x85: {  	_ =	shalt  }
0x86: {  	_ =	shalt  }
0x87: {  	_ =	shalt  }
.Lfunc_end0:
.L_simem_size_0:
called_computation_lowered:
.L_overlay_start_0:
0x88: {  	s2 =	sld [smem:$0x3FD9]  }
0x89: {  	s3 =	sld [smem:$0x3FFE];
	_ =	sdelay $0x1  }
0x8a: {  	s1 =	srdreg.scid  }
0x8b: {  	s0 =	sand.u32 $0x1, s1  }
0x8c: {  	s17 =	sshll.u32 s0, $0xA;
	s2 =	sadd.s32 s3, s2  }
0x8d: {  	s2 =	sadd.s32 s2, s17  }
0x8e: {  	[smem:$0x3FC7] =	sst s2  }
0x8f: {  	_ = 	snop  }
0x90: {  	s2 =	sld [smem:$0x3FC9]  }
0x91: {  	s18 =	sld [smem:$0x3FD0];
	(tm) =	ssettm $0x1  }
0x92: {  	s4 =	sld [smem:$0x3FFB];
	_ =	sdelay $0x3  }
0x93: {  	_ =	strace s4  }
0x94: {  	s4 =	sld [smem:$0x3FFC];
	_ =	sdelay $0x3  }
0x95: {  	_ =	strace s4  }
0x96: {  	s4 =	sld [smem:$0x3FFD];
	_ =	sdelay $0x3  }
0x97: {  	_ =	strace s4  }
0x98: {  	_ =	strace $0x8FFFFFFF  }
0x99: {  	s19 =	sld [smem:$0x3FDB];
	_ =	sdelay $0x1  }
0x9a: {  	s5 =	simm.s32 $_scs_section_size  }
0x9b: {  	s6 =	simm.s32 $_size__tile_overlayer_lowered;
	s7 =	simm.s32 $_tile_overlayer_lowered  }
0x9c: {  	s22 =	simm.s32 $0x1BFF;
	s21 =	sshll.u32 s7, $0x1;
	s4 =	sadd.s32 s5, s19  }
0x9d: {  	s8 =	simm.s32 $0x0;
	s20 =	sshll.u32 s6, $0x1;
	s6 =	sadd.s32 s21, s4  }
0x9e: {  	[timem:s8], [sflag:s22] =	dma.local [hbm:s6], s20  }
0x9f: {  	_ =	swait.ge [sflag:s22], s20  }
0xa0: {  	s5 =	ssub.s32 $0x0, s20;
	[sflag:s22] =	ssyncset.done $0x0  }
0xa1: {  	[sflag:s22] =	ssyncadd.s32 s5;
	_ =	sdelay $0x1  }
0xa2: {  	s23 =	simm.s32 $0x1B8B  }
0xa3: {  	_ =	swait.ge [sflag:s23], $0x1  }
0xa4: {  	[sflag:s23] =	ssyncset.done $0x0  }
0xa5: {  	s25 =	simm.s32 $0x1B8E;
	s24 =	sld [smem:$0x3FFE];
	[sflag:s23] =	ssyncadd.s32 $0xFFFFFFFF  }
0xa6: {  	s26 =	simm.s32 $execute0_lowered;
	[smem:$0x3FD2] =	sst s25  }
0xa7: {  	s6 =	sshll.u32 s26, $0x1;
	_ =	strace $0x80000046;
	[dreg:$0x1] =	wrdreg $0xFFFFFFFF  }
0xa8: {  	s28 =	simm.s32 $_size_execute0_lowered;
	s4 =	sadd.s32 s4, s6;
	[dreg:$0x0] =	wrdreg $0x0  }
0xa9: {  	s6 =	sshll.u32 s28, $0x1;
	[dreg:$0x2] =	wrdreg s4  }
0xaa: {  	[dreg:$0x3] =	wrdreg s6  }
0xab: {  	[dreg:$0x4] =	wrdreg $0xC0  }
0xac: {  	_ =	task [dreg:s8], $0x5FFFF  }
0xad: {  	[dreg:$0x1] =	wrdreg $0xFFFFFFFF  }
0xae: {  	[dreg:$0x0] =	wrdreg $0x60  }
0xaf: {  	[dreg:$0x2] =	wrdreg s2  }
0xb0: {  	[dreg:$0x3] =	wrdreg s24  }
0xb1: {  	[dreg:$0x4] =	wrdreg s18  }
0xb2: {  	[dreg:$0x5] =	wrdreg $0x9  }
0xb3: {  	_ =	task.clear_ibuf [dreg:s8], $0x6FFFF;
	_ =	strace $0x90000046  }
0xb4: {  	s29 =	simm.s32 $0x9;
	_ =	strace $0x80000048  }
0xb5: {  	_ =	swait.ge [sflag:s29], $0x1  }
0xb6: {  	[sflag:s29] =	ssyncadd.s32 $0xFFFFFFFF  }
0xb7: {  	_ =	strace $0x90000048  }
0xb8: {  	_ =	sfence  }
0xb9: {  	s30 =	sld [smem:$0x0];
	_ =	sdelay $0x2  }
0xba: {  	s31 =	sshll.u32 s1, $0xD;
	s1 =	sshrl.u32 s1, $0x2  }
0xbb: {  	s3 =	sand.u32 $0x4000, s31;
	s1 =	sadd.s32 s1, s30  }
0xbc: {  	s0 =	sor.u32 s3, s0;
	s1 =	sshll.u32 s1, $0x11  }
0xbd: {  	s0 =	sor.u32 s1, s0  }
0xbe: {  	s0 =	sadd.s32 $0x8F2B, s0  }
0xbf: {  	[sflag:s0] =	ssyncadd.remote.s32 $0x1  }
0xc0: {  	_ =	sfence.sel $0xFFFF  }
0xc1: {  	[dreg:$0x0] =	wrdreg $0xFFFFFFFF;
	(pc) =	sbr.abs _section_cstart, $3  }
0xc2: {  	[dreg:$0x1] =	wrdreg $0xFFFFFFFF  }
0xc3: {  	_ =	task.clear_ibuf [dreg:s8], $0x2FFFF;
	_ =	strace $0x9FFFFFFF  }
0xc4: {  	(tm) =	ssettm $0x7FFFFFFF  }
0xc5: {  	_ =	shalt  }
tec
execute0_lowered:
.L_overlay_start_1:
0x0: {  	(tag) =	ssettag $0x1  }
0x1: {  	v0 =	vimm.s32 $0xEDCBA987  }
0x2: {  	v1 =	vimm.s32 $0x6543210F;
	v4 =	vimm.s32 $0x11101F1E;
	v5 =	vimm.s32 $0x15141312  }
0x3: {  	vm0 =	vcmask $0x1F10;
	v7 =	vimm.s32 $0x24232221;
	v9 =	vimm.s32 $0x33323130  }
0x4: {  	v11 =	vimm.s32 $0x4241404F;
	v13 =	vimm.s32 $0x51505F5E;
	v15 =	vimm.s32 $0x606F6E6D  }
0x5: {  	v17 =	vimm.s32 $0x7B7A7978;
	v18 =	vimm.s32 $0x7F7E7D7C;
	v19 =	vimm.s32 $0xFEDCBA9  }
0x6: {  	v20 =	vimm.s32 $0x87654321;
	v29 =	vimm.s32 $0xBA987654;
	v42 =	vimm.s32 $0x43210FED  }
0x7: {  	v44 =	vimm.s32 $0xCBA98765;
	v49 =	vimm.s32 $0x543210FE;
	v50 =	vimm.s32 $0xDCBA9876  }
0x8: {  	v0 =	vunpack.c.l.s4.s8 v0;
	v1 =	vunpack.c.l.s4.s8 v1;
	v4 =	vunpack.c.0.s8.s32 v4  }
0x9: {  	v5 =	vunpack.c.0.s8.s32 v5;
	v7 =	vunpack.c.0.s8.s32 v7;
	v9 =	vunpack.c.0.s8.s32 v9  }
0xa: {  	v11 =	vunpack.c.0.s8.s32 v11;
	v13 =	vunpack.c.0.s8.s32 v13;
	v15 =	vunpack.c.0.s8.s32 v15  }
0xb: {  	v17 =	vunpack.c.0.s8.s32 v17;
	v18 =	vunpack.c.0.s8.s32 v18;
	v19 =	vunpack.c.l.s4.s8 v19  }
0xc: {  	v20 =	vunpack.c.l.s4.s8 v20;
	v29 =	vunpack.c.l.s4.s8 v29;
	v42 =	vunpack.c.l.s4.s8 v42  }
0xd: {  	v47 =	vunpack.c.l.s4.s8 v44;
	v22 =	vunpack.c.0.s8.s32 v0;
	v23 =	vunpack.c.0.s8.s32 v1  }
0xe: {  	v1 =	vimm.s32 $0x19181716;
	v0 =	vlaneseq.u32;
	v4 =	vsel vm0, v5, v4  }
0xf: {  	v25 =	vunpack.c.0.s8.s32 v19;
	v26 =	vunpack.c.0.s8.s32 v20;
	v19 =	vimm.s32 $0xA9876543  }
0x10: {  	v20 =	vimm.s32 $0x3210FEDC;
	v3 =	vunpack.c.0.s8.s32 v1;
	v1 =	vimm.s32 $0x1D1C1B1A  }
0x11: {  	v19 =	vunpack.c.l.s4.s8 v19;
	v20 =	vunpack.c.l.s4.s8 v20;
	v2 =	vcombine.low v23, v22  }
0x12: {  	s1 =	rddreg [dreg:$0x0];
	v29 =	vunpack.c.0.s8.s32 v29;
	v48 =	vunpack.c.0.s8.s32 v42;
	v6 =	vunpack.c.0.s8.s32 v1  }
0x13: {  	s3 =	rddreg [dreg:$0x1];
	v36 =	vunpack.c.0.s8.s32 v19;
	v37 =	vunpack.c.0.s8.s32 v20;
	v1 =	vand.u32 $0xF, v2  }
0x14: {  	s11 =	rddreg [dreg:$0x2];
	v2 =	vimm.s32 $0x28272625;
	v3 =	vsel vm0, v6, v3;
	v6 =	vimm.s32 $0x202F2E2D  }
0x15: {  	s0 =	rddreg [dreg:$0x3];
	s2 =	simm.s32 $0x0;
	v5 =	vunpack.c.0.s8.s32 v2;
	v2 =	vimm.s32 $0x2C2B2A29;
	v6 =	vunpack.c.0.s8.s32 v6  }
0x16: {  	[smem:$0x7FF] =	sst s2;
	v3 =	vcombine.low v4, v3;
	v4 =	vimm.s32 $0x37363534;
	v8 =	vunpack.c.0.s8.s32 v2  }
0x17: {  	s4 =	sadd.s32 $0x800, s3;
	s3 =	simm.s32 $0x2;
	_ =	strace $0x80000047;
	v20 =	vcombine.low v29, v37;
	v6 =	vsel vm0, v7, v6;
	v7 =	vunpack.c.0.s8.s32 v4  }
0x18: {  	[tilespmem:s2], [sflag:$0x2] =	stream.linear.gather [hbm4b:s4+s2], $0x80, $0x38;
	v4 =	vimm.s32 $0x3B3A3938;
	v5 =	vsel vm0, v8, v5;
	v8 =	vimm.s32 $0x3F3E3D3C;
	[tilespmem:$0x8280] =	vst v63  }
0x19: {  	_ =	swait.ge [sflag:s3], $0x80;
	v2 =	vor.u32 $0x10, v0;
	v10 =	vunpack.c.0.s8.s32 v4;
	v8 =	vunpack.c.0.s8.s32 v8  }
0x1a: {  	[sflag:s3] =	ssyncset.done $0x0;
	v20 =	vand.u32 $0xF, v20;
	v5 =	vcombine.low v6, v5;
	v6 =	vimm.s32 $0x46454443  }
0x1b: {  	[sflag:s3] =	ssyncadd.s32 $0xFFFFFF80;
	v7 =	vsel vm0, v10, v7;
	v10 =	vimm.s32 $0x4E4D4C4B;
	v8 =	vsel vm0, v9, v8  }
0x1c: {  	v35 =	vld.idx.msk [tilespmem:v0+s2+$0x0], $0xffff;
	v9 =	vunpack.c.0.s8.s32 v6;
	v6 =	vimm.s32 $0x4A494847;
	v10 =	vunpack.c.0.s8.s32 v10  }
0x1d: {  	v31 =	vld.idx.msk [tilespmem:v1+s2+$0x0], $0xffff;
	v12 =	vunpack.c.0.s8.s32 v6;
	v7 =	vcombine.low v8, v7;
	v8 =	vimm.s32 $0x55545352  }
0x1e: {  	v4 =	vor.u32 $0x20, v0;
	v30 =	vld.idx.msk [tilespmem:v3+s2+$0x0], $0xffff;
	v10 =	vsel vm0, v11, v10;
	v11 =	vunpack.c.0.s8.s32 v8  }
0x1f: {  	v38 =	vld.idx.msk [tilespmem:v2+s2+$0x0], $0xffff;
	v8 =	vimm.s32 $0x59585756;
	v9 =	vsel vm0, v12, v9;
	v12 =	vimm.s32 $0x5D5C5B5A  }
0x20: {  	v6 =	vor.u32 $0x30, v0;
	v14 =	vunpack.c.0.s8.s32 v8;
	v12 =	vunpack.c.0.s8.s32 v12  }
0x21: {  	v8 =	vor.u32 $0x40, v0;
	v9 =	vcombine.low v10, v9;
	v10 =	vimm.s32 $0x64636261  }
0x22: {  	v11 =	vsel vm0, v14, v11;
	v14 =	vimm.s32 $0x6C6B6A69;
	v12 =	vsel vm0, v13, v12  }
0x23: {  	v24 =	vld.idx.msk [tilespmem:v4+s2+$0x0], $0xffff;
	v13 =	vunpack.c.0.s8.s32 v10;
	v10 =	vimm.s32 $0x68676665;
	v14 =	vunpack.c.0.s8.s32 v14  }
0x24: {  	v28 =	vld.idx.msk [tilespmem:v5+s2+$0x0], $0xffff;
	v35 =	vadd.s32 v38, v35;
	v30 =	vadd.s32 v30, v31;
	v16 =	vunpack.c.0.s8.s32 v10  }
0x25: {  	v40 =	vld.idx.msk [tilespmem:v6+s2+$0x0], $0xffff;
	v11 =	vcombine.low v12, v11;
	v12 =	vor.u32 $0x60, v0;
	v14 =	vsel vm0, v15, v14  }
0x26: {  	v15 =	vimm.s32 $0x73727170;
	v13 =	vsel vm0, v16, v13;
	v16 =	vimm.s32 $0x77767574  }
0x27: {  	v10 =	vor.u32 $0x50, v0;
	v27 =	vld.idx.msk [tilespmem:v7+s2+$0x0], $0xffff;
	v15 =	vunpack.c.0.s8.s32 v15;
	v16 =	vunpack.c.0.s8.s32 v16  }
0x28: {  	v38 =	vunpack.c.0.s8.s32 v47;
	v24 =	vadd.s32 v24, v35;
	v39 =	vld.idx.msk [tilespmem:v8+s2+$0x0], $0xffff;
	v13 =	vcombine.low v14, v13  }
0x29: {  	v14 =	vor.u32 $0x70, v0;
	v15 =	vsel vm0, v16, v15;
	v16 =	vsel vm0, v18, v17  }
0x2a: {  	v28 =	vadd.s32 v28, v30;
	v21 =	vld.idx.msk [tilespmem:v9+s2+$0x0], $0xffff;
	v24 =	vadd.s32 v40, v24;
	v15 =	vcombine.low v16, v15  }
0x2b: {  	v17 =	vimm.s32 $0x98765432;
	v18 =	vimm.s32 $0x210FEDCB;
	vm0 =	vmmov $0xff;
	v41 =	vld.idx.msk [tilespmem:v12+s2+$0x0], $0xffff  }
0x2c: {  	v43 =	vld.idx.msk [tilespmem:v10+s2+$0x0], $0xffff;
	v16 =	vimm.s32 $0x10FEDCBA;
	v17 =	vunpack.c.l.s4.s8 v17;
	v18 =	vunpack.c.l.s4.s8 v18  }
0x2d: {  	v27 =	vadd.s32 v27, v28;
	v45 =	vld.idx.msk [tilespmem:v11+s2+$0x0], $0xffff;
	v24 =	vadd.s32 v39, v24;
	v16 =	vunpack.c.l.s4.s8 v16  }
0x2e: {  	v33 =	vunpack.c.0.s8.s32 v17;
	v34 =	vunpack.c.0.s8.s32 v18;
	v17 =	vcombine.low v26, v25;
	v31 =	vld.idx.msk [tilespmem:v14+s2+$0x0], $0xffff  }
0x2f: {  	v21 =	vadd.s32 v21, v27;
	v32 =	vunpack.c.0.s8.s32 v16;
	v16 =	vmul.u32 $0xFFFFFFFF, v0;
	v30 =	vld.idx.msk [tilespmem:v13+s2+$0x0], $0xffff  }
0x30: {  	v27 =	vunpack.c.l.s4.s8 v49;
	v19 =	vcombine.low v36, v34;
	v17 =	vand.u32 $0xF, v17;
	v28 =	vld.idx.msk [tilespmem:v15+s2+$0x0], $0xffff  }
0x31: {  	v24 =	vadd.s32 v43, v24;
	v18 =	vcombine.low v33, v32;
	v16 =	vadd.s32 $0xF, v16  }
0x32: {  	v21 =	vadd.s32 v45, v21;
	v24 =	vadd.s32 v41, v24;
	v19 =	vand.u32 $0xF, v19  }
0x33: {  	v21 =	vsub.s32 v21, v24;
	v24 =	vunpack.c.l.s4.s8 v50;
	v31 =	vsub.s32 $0x4000, v31  }
0x34: {  	v18 =	vand.u32 $0xF, v18;
	v31 =	vnsel vm0, $0x0, v31;
	v21 =	vadd.s32 v30, v21  }
0x35: {  	v30 =	vunpack.c.0.s8.s32 v27;
	v21 =	vadd.s32 v31, v21;
	v27 =	vsel vm0, $0x0, v28  }
0x36: {  	v28 =	vunpack.c.0.s8.s32 v24;
	v24 =	vimm.s32 $0xFEDCBA98;
	v21 =	vadd.s32 v27, v21  }
0x37: {  	v27 =	vimm.s32 $0x76543210;
	v24 =	vunpack.c.l.s4.s8 v24;
	v21 =	vadd.s32 $0x1C000, v21  }
0x38: {  	v31 =	vcombine.low v38, v48;
	v27 =	vunpack.c.l.s4.s8 v27;
	v21 =	vshll.u32 v21, $0x4  }
0x39: {  	v51 =	vcombine.low v28, v30;
	v24 =	vunpack.c.0.s8.s32 v24;
	v40 =	vor.u32 v16, v21  }
0x3a: {  	s5 =	simm.s32 $0x80;
	v23 =	vcombine.low v22, v23;
	v21 =	vand.u32 $0xF, v31;
	v27 =	vunpack.c.0.s8.s32 v27;
	[tilespmem:$0x80] =	vst v40  }
0x3b: {  	v22 =	vand.u32 $0xF, v51;
	v24 =	vand.u32 $0xF, v24;
	v52 =	vld.idx.msk [tilespmem:v17+s5+$0x0], $0xffff  }
0x3c: {  	v23 =	vand.u32 $0xF, v23;
	v25 =	vcombine.low v25, v26;
	v24 =	vcombine.low v24, v27;
	v53 =	vld.idx.msk [tilespmem:v18+s5+$0x0], $0xffff  }
0x3d: {  	v29 =	vcombine.low v37, v29;
	v27 =	vcombine.low v32, v33;
	v54 =	vld.idx.msk [tilespmem:v19+s5+$0x0], $0xffff  }
0x3e: {  	v55 =	vcombine.low v48, v38;
	v25 =	vand.u32 $0xF, v25;
	v31 =	vcombine.low v34, v36;
	v56 =	vld.idx.msk [tilespmem:v20+s5+$0x0], $0xffff  }
0x3f: {  	v29 =	vand.u32 $0xF, v29;
	v57 =	vcombine.low v30, v28;
	v27 =	vand.u32 $0xF, v27;
	v58 =	vld.idx.msk [tilespmem:v21+s5+$0x0], $0xffff  }
0x40: {  	v26 =	vimm.s32 $0x0;
	v30 =	vand.u32 $0xF, v55;
	v28 =	vand.u32 $0xF, v31;
	v59 =	vld.idx.msk [tilespmem:v22+s5+$0x0], $0xffff  }
0x41: {  	v31 =	vand.u32 $0xF, v57;
	v60 =	vld.idx.msk [tilespmem:v23+s5+$0x0], $0xffff;
	vm1 =	vgt.s32 v52, v40;
	vm2 =	vgt.s32 v53, v40  }
0x42: {  	v61 =	vld.idx.msk [tilespmem:v24+s5+$0x0], $0xffff;
	v62 =	vsel vm1, $0x1, v26;
	v63 =	vsel vm2, $0x1, v26;
	vm1 =	vgt.s32 v54, v40  }
0x43: {  	v42 =	vld.idx.msk [tilespmem:v25+s5+$0x0], $0xffff;
	v38 =	vadd.s32 v63, v62;
	v43 =	vsel vm1, $0x1, v26;
	vm1 =	vgt.s32 v56, v40  }
0x44: {  	v44 =	vld.idx.msk [tilespmem:v27+s5+$0x0], $0xffff;
	v38 =	vadd.s32 v43, v38;
	v45 =	vsel vm1, $0x1, v26;
	vm1 =	vgt.s32 v58, v40  }
0x45: {  	v46 =	vld.idx.msk [tilespmem:v28+s5+$0x0], $0xffff;
	v38 =	vadd.s32 v45, v38;
	v47 =	vsel vm1, $0x1, v26;
	vm1 =	vgt.s32 v59, v40  }
0x46: {  	v48 =	vld.idx.msk [tilespmem:v29+s5+$0x0], $0xffff;
	v38 =	vadd.s32 v47, v38;
	v49 =	vsel vm1, $0x1, v26;
	vm1 =	vgt.s32 v60, v40  }
0x47: {  	v50 =	vld.idx.msk [tilespmem:v30+s5+$0x0], $0xffff;
	v38 =	vadd.s32 v49, v38;
	v51 =	vsel vm1, $0x1, v26;
	vm1 =	vgt.s32 v61, v40  }
0x48: {  	v52 =	vld.idx.msk [tilespmem:v31+s5+$0x0], $0xffff;
	v38 =	vadd.s32 v51, v38;
	v53 =	vsel vm1, $0x1, v26;
	vm1 =	vgt.s32 v42, v40  }
0x49: {  	v54 =	vld.idx.msk [tilespmem:v1+s5+$0x0], $0xffff;
	v38 =	vadd.s32 v53, v38;
	v55 =	vsel vm1, $0x1, v26;
	vm1 =	vgt.s32 v44, v40  }
0x4a: {  	v56 =	vadd.s32 v55, v38;
	v57 =	vsel vm1, $0x1, v26;
	vm1 =	vgt.s32 v46, v40  }
0x4b: {  	v34 =	vadd.s32 v57, v56;
	v36 =	vsel vm1, $0x1, v26;
	vm1 =	vgt.s32 v48, v40  }
0x4c: {  	v58 =	vadd.s32 v36, v34;
	v59 =	vsel vm1, $0x1, v26;
	vm1 =	vgt.s32 v50, v40  }
0x4d: {  	v33 =	vadd.s32 v59, v58;
	v60 =	vsel vm1, $0x1, v26;
	vm1 =	vgt.s32 v52, v40  }
0x4e: {  	v33 =	vadd.s32 v60, v33;
	v61 =	vsel vm1, $0x1, v26;
	vm1 =	vgt.s32 v54, v40  }
0x4f: {  	v62 =	vadd.s32 v61, v33;
	v63 =	vsel vm1, $0x1, v26  }
0x50: {  	v33 =	vadd.s32 v63, v62  }
0x51: {  	v32 =	vand.u32 $0x7, v0;
	_ =	sdelay $0x1  }
0x52: {  	s7 =	srdreg.scid  }
0x53: {  	s6 =	stileid.u32;
	s8 =	sand.u32 $0x1, s7;
	s7 =	simm.s32 $0x100  }
0x54: {  	s9 =	sshll.u32 s6, $0x9;
	s10 =	sshll.u32 s8, $0x8;
	[tilespmem:v33+s7+$0x0] =	vst.idx.msk $0xffff, v0  }
0x55: {  	s10 =	sor.u32 s10, s9;
	v36 =	vld.idx.msk [tilespmem:v32+s7+$0x0], $0xffff  }
0x56: {  	v37 =	vmov s10;
	v48 =	vmul.u32 $0x2, v0  }
0x57: {  	v33 =	vshll.u32 v37, $0x1  }
0x58: {  	v33 =	vor.u32 v48, v33  }
0x59: {  	v33 =	vand.u32 $0x7FFFFE10, v33  }
0x5a: {  	v34 =	vadd.s32 v33, v36  }
0x5b: {  	[tilespmem:$0x180] =	vst v34  }
0x5c: {  	s9 =	sor.u32 $0x10, s10;
	v38 =	vld.idx.msk [tilespmem:v32+s7+$0x0], $0xffff  }
0x5d: {  	v39 =	vmov s9  }
0x5e: {  	v34 =	vshll.u32 v39, $0x1  }
0x5f: {  	v34 =	vor.u32 v48, v34  }
0x60: {  	v34 =	vand.u32 $0x7FFFFFF0, v34  }
0x61: {  	v35 =	vadd.s32 v34, v38  }
0x62: {  	[tilespmem:$0x190] =	vst v35  }
0x63: {  	s16 =	sor.u32 $0x20, s10;
	v40 =	vld.idx.msk [tilespmem:v32+s7+$0x0], $0xffff  }
0x64: {  	v41 =	vmov s16  }
0x65: {  	v35 =	vshll.u32 v41, $0x1  }
0x66: {  	v35 =	vor.u32 v48, v35  }
0x67: {  	v35 =	vand.u32 $0x7FFFFFF0, v35  }
0x68: {  	v36 =	vadd.s32 v35, v40  }
0x69: {  	[tilespmem:$0x1A0] =	vst v36  }
0x6a: {  	s17 =	sor.u32 $0x30, s10;
	v42 =	vld.idx.msk [tilespmem:v32+s7+$0x0], $0xffff  }
0x6b: {  	v43 =	vmov s17  }
0x6c: {  	v36 =	vshll.u32 v43, $0x1  }
0x6d: {  	v36 =	vor.u32 v48, v36  }
0x6e: {  	v36 =	vand.u32 $0x7FFFFFF0, v36  }
0x6f: {  	v37 =	vadd.s32 v36, v42  }
0x70: {  	[tilespmem:$0x1B0] =	vst v37  }
0x71: {  	s18 =	sor.u32 $0x40, s10;
	v44 =	vld.idx.msk [tilespmem:v32+s7+$0x0], $0xffff  }
0x72: {  	v45 =	vmov s18  }
0x73: {  	v37 =	vshll.u32 v45, $0x1  }
0x74: {  	v37 =	vor.u32 v48, v37  }
0x75: {  	v37 =	vand.u32 $0x7FFFFFF0, v37  }
0x76: {  	v38 =	vadd.s32 v37, v44  }
0x77: {  	[tilespmem:$0x1C0] =	vst v38  }
0x78: {  	s19 =	sor.u32 $0x50, s10;
	v46 =	vld.idx.msk [tilespmem:v32+s7+$0x0], $0xffff  }
0x79: {  	v47 =	vmov s19  }
0x7a: {  	v38 =	vshll.u32 v47, $0x1  }
0x7b: {  	v38 =	vor.u32 v48, v38  }
0x7c: {  	v38 =	vand.u32 $0x7FFFFFF0, v38  }
0x7d: {  	v39 =	vadd.s32 v38, v46  }
0x7e: {  	[tilespmem:$0x1D0] =	vst v39  }
0x7f: {  	s20 =	sor.u32 $0x60, s10;
	v49 =	vld.idx.msk [tilespmem:v32+s7+$0x0], $0xffff  }
0x80: {  	v50 =	vmov s20  }
0x81: {  	v39 =	vshll.u32 v50, $0x1  }
0x82: {  	v39 =	vor.u32 v48, v39  }
0x83: {  	v39 =	vand.u32 $0x7FFFFFF0, v39  }
0x84: {  	v40 =	vadd.s32 v39, v49  }
0x85: {  	[tilespmem:$0x1E0] =	vst v40  }
0x86: {  	s21 =	sor.u32 $0x70, s10;
	v51 =	vld.idx.msk [tilespmem:v32+s7+$0x0], $0xffff  }
0x87: {  	v52 =	vmov s21  }
0x88: {  	v40 =	vshll.u32 v52, $0x1  }
0x89: {  	v40 =	vor.u32 v48, v40  }
0x8a: {  	v40 =	vand.u32 $0x7FFFFFF0, v40  }
0x8b: {  	v41 =	vadd.s32 v40, v51  }
0x8c: {  	[tilespmem:$0x1F0] =	vst v41  }
0x8d: {  	s22 =	sor.u32 $0x80, s10;
	v53 =	vld.idx.msk [tilespmem:v32+s7+$0x0], $0xffff  }
0x8e: {  	v54 =	vmov s22  }
0x8f: {  	v41 =	vshll.u32 v54, $0x1  }
0x90: {  	v41 =	vor.u32 v48, v41  }
0x91: {  	v41 =	vand.u32 $0x7FFFFFF0, v41  }
0x92: {  	v42 =	vadd.s32 v41, v53  }
0x93: {  	[tilespmem:$0x200] =	vst v42  }
0x94: {  	s23 =	sor.u32 $0x90, s10;
	v55 =	vld.idx.msk [tilespmem:v32+s7+$0x0], $0xffff  }
0x95: {  	v56 =	vmov s23  }
0x96: {  	v42 =	vshll.u32 v56, $0x1  }
0x97: {  	v42 =	vor.u32 v48, v42  }
0x98: {  	v42 =	vand.u32 $0x7FFFFFF0, v42  }
0x99: {  	v43 =	vadd.s32 v42, v55  }
0x9a: {  	[tilespmem:$0x210] =	vst v43  }
0x9b: {  	s24 =	sor.u32 $0xA0, s10;
	v57 =	vld.idx.msk [tilespmem:v32+s7+$0x0], $0xffff  }
0x9c: {  	v58 =	vmov s24  }
0x9d: {  	v43 =	vshll.u32 v58, $0x1  }
0x9e: {  	v43 =	vor.u32 v48, v43  }
0x9f: {  	v43 =	vand.u32 $0x7FFFFFF0, v43  }
0xa0: {  	v44 =	vadd.s32 v43, v57  }
0xa1: {  	[tilespmem:$0x220] =	vst v44  }
0xa2: {  	s25 =	sor.u32 $0xB0, s10;
	v59 =	vld.idx.msk [tilespmem:v32+s7+$0x0], $0xffff  }
0xa3: {  	v60 =	vmov s25  }
0xa4: {  	v44 =	vshll.u32 v60, $0x1  }
0xa5: {  	v44 =	vor.u32 v48, v44  }
0xa6: {  	v44 =	vand.u32 $0x7FFFFFF0, v44  }
0xa7: {  	v45 =	vadd.s32 v44, v59  }
0xa8: {  	[tilespmem:$0x230] =	vst v45  }
0xa9: {  	s26 =	sor.u32 $0xC0, s10;
	v46 =	vld.idx.msk [tilespmem:v32+s7+$0x0], $0xffff  }
0xaa: {  	v61 =	vmov s26  }
0xab: {  	v45 =	vshll.u32 v61, $0x1  }
0xac: {  	v45 =	vor.u32 v48, v45  }
0xad: {  	v45 =	vand.u32 $0x7FFFFFF0, v45  }
0xae: {  	v46 =	vadd.s32 v45, v46  }
0xaf: {  	[tilespmem:$0x240] =	vst v46  }
0xb0: {  	s28 =	sor.u32 $0xD0, s10;
	v47 =	vld.idx.msk [tilespmem:v32+s7+$0x0], $0xffff  }
0xb1: {  	v62 =	vmov s28  }
0xb2: {  	v46 =	vshll.u32 v62, $0x1  }
0xb3: {  	v46 =	vor.u32 v48, v46  }
0xb4: {  	v46 =	vand.u32 $0x7FFFFFF0, v46  }
0xb5: {  	v47 =	vadd.s32 v46, v47  }
0xb6: {  	[tilespmem:$0x250] =	vst v47  }
0xb7: {  	s29 =	sor.u32 $0xE0, s10;
	v49 =	vld.idx.msk [tilespmem:v32+s7+$0x0], $0xffff  }
0xb8: {  	v63 =	vmov s29  }
0xb9: {  	v47 =	vshll.u32 v63, $0x1  }
0xba: {  	v47 =	vor.u32 v48, v47  }
0xbb: {  	v47 =	vand.u32 $0x7FFFFFF0, v47  }
0xbc: {  	v49 =	vadd.s32 v47, v49  }
0xbd: {  	[tilespmem:$0x260] =	vst v49  }
0xbe: {  	s30 =	sor.u32 $0xF0, s10;
	v49 =	vld.idx.msk [tilespmem:v32+s7+$0x0], $0xffff  }
0xbf: {  	s8 =	ssub.s32 $0x2, s8;
	v50 =	vmov s30  }
0xc0: {  	s31 =	sshrl.u32 s8, $0x1;
	v50 =	vshll.u32 v50, $0x1  }
0xc1: {  	s12 =	ssub.s32 s8, s31;
	v48 =	vor.u32 v48, v50  }
0xc2: {  	s14 =	smax.u32 s12, $0x1;
	v48 =	vand.u32 $0x7FFFFFF0, v48  }
0xc3: {  	s13 =	simm.s32 $0x4280;
	p0 =	sne.s32 s14, $0x1;
	v49 =	vadd.s32 v48, v49  }
.Ltmp0:
0xc4: {  	s8 =	simm.s32 $0x280;
	s9 =	simm.s32 $0x180;
	[tilespmem:$0x270] =	vst v49;
	(pc) =	sbr.rel @!p0 .LBB2_2-.Ltmp0, $4  }
0xc5: {  	[tilespmem:s8], [sflag:$0x1] =	stream.indirect.gather [hbm4b:s1+s5], $0x80, s9, s5, $0xb8;
	[tilespmem:$0x8280] =	vst v63  }
0xc6: {  	s15 =	sshll.u32 s10, $0x4;
	s12 =	simm.s32 $0x200;
	s10 =	simm.s32 $0x1  }
0xc7: {  	[tilespmem:s13], [sflag:$0x1] =	stream.indirect.gather [hbm4b:s1+s5], $0x80, s12, s5, $0xb8;
	[tilespmem:$0x8280] =	vst v63  }
0xc8: {  	s11 =	sadd.s32 s11, s15;
	s14 =	sadd.s32 $0xFFFFFFFF, s14;
	_ =	swait.ge [sflag:s10], $0x4000  }
.LBB2_1:
0xc9: {  	p0 =	sne.s32 s14, $0x1;
	s14 =	sadd.s32 $0xFFFFFFFF, s14;
	[sflag:s10] =	ssyncset.done $0x0  }
0xca: {  	[sflag:s10] =	ssyncadd.s32 $0xFFFFC000  }
0xcb: {  	_ =	swait.ge [sflag:s10], $0x4000  }
0xcc: {  	[sflag:s10] =	ssyncset.done $0x0  }
0xcd: {  	[sflag:s10] =	ssyncadd.s32 $0xFFFFC000  }
0xce: {  	[hbm4b:s11+s2] =	stream.linear.scatter [tilespmem:s8], [sflag:$0x2], $0x8000, $0x38;
	[tilespmem:$0x8280] =	vst v63  }
0xcf: {  	_ =	swait.ge [sflag:s3], $0x8000  }
0xd0: {  	[sflag:s3] =	ssyncset.done $0x0  }
0xd1: {  	[sflag:s3] =	ssyncadd.s32 $0xFFFF8000  }
0xd2: {  	[tilespmem:s2], [sflag:$0x2] =	stream.linear.gather [hbm4b:s4+s2], $0x80, $0x38;
	[tilespmem:$0x8280] =	vst v63  }
0xd3: {  	_ =	swait.ge [sflag:s3], $0x80  }
0xd4: {  	[sflag:s3] =	ssyncset.done $0x0  }
0xd5: {  	[sflag:s3] =	ssyncadd.s32 $0xFFFFFF80  }
0xd6: {  	v49 =	vld.idx.msk [tilespmem:v9+s2+$0x0], $0xffff  }
0xd7: {  	v50 =	vld.idx.msk [tilespmem:v4+s2+$0x0], $0xffff  }
0xd8: {  	v51 =	vld.idx.msk [tilespmem:v7+s2+$0x0], $0xffff  }
0xd9: {  	v52 =	vld.idx.msk [tilespmem:v5+s2+$0x0], $0xffff  }
0xda: {  	v53 =	vld.idx.msk [tilespmem:v3+s2+$0x0], $0xffff  }
0xdb: {  	v54 =	vld.idx.msk [tilespmem:v1+s2+$0x0], $0xffff  }
0xdc: {  	v55 =	vld.idx.msk [tilespmem:v0+s2+$0x0], $0xffff  }
0xdd: {  	v56 =	vld.idx.msk [tilespmem:v2+s2+$0x0], $0xffff  }
0xde: {  	v57 =	vld.idx.msk [tilespmem:v8+s2+$0x0], $0xffff  }
0xdf: {  	v58 =	vld.idx.msk [tilespmem:v6+s2+$0x0], $0xffff  }
0xe0: {  	v59 =	vld.idx.msk [tilespmem:v12+s2+$0x0], $0xffff  }
0xe1: {  	v53 =	vadd.s32 v53, v54;
	v60 =	vld.idx.msk [tilespmem:v10+s2+$0x0], $0xffff  }
0xe2: {  	v52 =	vadd.s32 v52, v53;
	v54 =	vld.idx.msk [tilespmem:v11+s2+$0x0], $0xffff  }
0xe3: {  	v55 =	vadd.s32 v56, v55;
	v51 =	vadd.s32 v51, v52;
	v53 =	vld.idx.msk [tilespmem:v14+s2+$0x0], $0xffff  }
0xe4: {  	v50 =	vadd.s32 v50, v55;
	v49 =	vadd.s32 v49, v51;
	v52 =	vld.idx.msk [tilespmem:v13+s2+$0x0], $0xffff  }
0xe5: {  	v50 =	vadd.s32 v58, v50;
	v51 =	vld.idx.msk [tilespmem:v15+s2+$0x0], $0xffff  }
0xe6: {  	v50 =	vadd.s32 v57, v50  }
0xe7: {  	v50 =	vadd.s32 v60, v50  }
0xe8: {  	v49 =	vadd.s32 v54, v49;
	v50 =	vadd.s32 v59, v50  }
0xe9: {  	v53 =	vsub.s32 $0x4000, v53;
	v49 =	vsub.s32 v49, v50  }
0xea: {  	v50 =	vnsel vm0, $0x0, v53;
	v49 =	vadd.s32 v52, v49  }
0xeb: {  	v51 =	vsel vm0, $0x0, v51;
	v49 =	vadd.s32 v50, v49  }
0xec: {  	v49 =	vadd.s32 v51, v49  }
0xed: {  	v49 =	vadd.s32 $0x1C000, v49  }
0xee: {  	v49 =	vshll.u32 v49, $0x4  }
0xef: {  	v49 =	vor.u32 v16, v49  }
0xf0: {  	[tilespmem:$0x80] =	vst v49  }
0xf1: {  	v50 =	vld.idx.msk [tilespmem:v17+s5+$0x0], $0xffff  }
0xf2: {  	v51 =	vld.idx.msk [tilespmem:v18+s5+$0x0], $0xffff  }
0xf3: {  	v52 =	vld.idx.msk [tilespmem:v19+s5+$0x0], $0xffff  }
0xf4: {  	v53 =	vld.idx.msk [tilespmem:v20+s5+$0x0], $0xffff  }
0xf5: {  	v54 =	vld.idx.msk [tilespmem:v21+s5+$0x0], $0xffff  }
0xf6: {  	v55 =	vld.idx.msk [tilespmem:v22+s5+$0x0], $0xffff  }
0xf7: {  	vm1 =	vgt.s32 v50, v49;
	v50 =	vld.idx.msk [tilespmem:v23+s5+$0x0], $0xffff  }
0xf8: {  	vm2 =	vgt.s32 v51, v49;
	v51 =	vld.idx.msk [tilespmem:v24+s5+$0x0], $0xffff  }
0xf9: {  	v56 =	vsel vm1, $0x1, v26;
	v57 =	vsel vm2, $0x1, v26;
	vm1 =	vgt.s32 v52, v49;
	v52 =	vld.idx.msk [tilespmem:v25+s5+$0x0], $0xffff  }
0xfa: {  	v56 =	vadd.s32 v57, v56;
	v57 =	vsel vm1, $0x1, v26;
	vm1 =	vgt.s32 v53, v49;
	v53 =	vld.idx.msk [tilespmem:v27+s5+$0x0], $0xffff  }
0xfb: {  	v56 =	vadd.s32 v57, v56;
	v57 =	vsel vm1, $0x1, v26;
	vm1 =	vgt.s32 v54, v49;
	v54 =	vld.idx.msk [tilespmem:v28+s5+$0x0], $0xffff  }
0xfc: {  	v56 =	vadd.s32 v57, v56;
	v57 =	vsel vm1, $0x1, v26;
	vm1 =	vgt.s32 v55, v49;
	v55 =	vld.idx.msk [tilespmem:v29+s5+$0x0], $0xffff  }
0xfd: {  	v56 =	vadd.s32 v57, v56;
	v57 =	vsel vm1, $0x1, v26;
	vm1 =	vgt.s32 v50, v49;
	v50 =	vld.idx.msk [tilespmem:v30+s5+$0x0], $0xffff  }
0xfe: {  	v56 =	vadd.s32 v57, v56;
	v57 =	vsel vm1, $0x1, v26;
	vm1 =	vgt.s32 v51, v49;
	v51 =	vld.idx.msk [tilespmem:v31+s5+$0x0], $0xffff  }
0xff: {  	v56 =	vadd.s32 v57, v56;
	v57 =	vsel vm1, $0x1, v26;
	vm1 =	vgt.s32 v52, v49;
	v52 =	vld.idx.msk [tilespmem:v1+s5+$0x0], $0xffff  }
0x100: {  	v56 =	vadd.s32 v57, v56;
	v57 =	vsel vm1, $0x1, v26;
	vm1 =	vgt.s32 v53, v49  }
0x101: {  	v53 =	vadd.s32 v57, v56;
	v56 =	vsel vm1, $0x1, v26;
	vm1 =	vgt.s32 v54, v49  }
0x102: {  	v53 =	vadd.s32 v56, v53;
	v54 =	vsel vm1, $0x1, v26;
	vm1 =	vgt.s32 v55, v49  }
0x103: {  	v53 =	vadd.s32 v54, v53;
	v54 =	vsel vm1, $0x1, v26;
	vm1 =	vgt.s32 v50, v49  }
0x104: {  	v50 =	vadd.s32 v54, v53;
	v53 =	vsel vm1, $0x1, v26;
	vm1 =	vgt.s32 v51, v49  }
0x105: {  	v50 =	vadd.s32 v53, v50;
	v51 =	vsel vm1, $0x1, v26;
	vm1 =	vgt.s32 v52, v49  }
0x106: {  	v49 =	vadd.s32 v51, v50;
	v50 =	vsel vm1, $0x1, v26  }
0x107: {  	v49 =	vadd.s32 v50, v49;
	_ =	sdelay $0x4  }
0x108: {  	[tilespmem:v49+s7+$0x0] =	vst.idx.msk $0xffff, v0  }
0x109: {  	v49 =	vld.idx.msk [tilespmem:v32+s7+$0x0], $0xffff;
	_ =	sdelay $0x5  }
0x10a: {  	v49 =	vadd.s32 v33, v49  }
0x10b: {  	[tilespmem:$0x180] =	vst v49  }
0x10c: {  	v49 =	vld.idx.msk [tilespmem:v32+s7+$0x0], $0xffff;
	_ =	sdelay $0x5  }
0x10d: {  	v49 =	vadd.s32 v34, v49  }
0x10e: {  	[tilespmem:$0x190] =	vst v49  }
0x10f: {  	v49 =	vld.idx.msk [tilespmem:v32+s7+$0x0], $0xffff;
	_ =	sdelay $0x5  }
0x110: {  	v49 =	vadd.s32 v35, v49  }
0x111: {  	[tilespmem:$0x1A0] =	vst v49  }
0x112: {  	v49 =	vld.idx.msk [tilespmem:v32+s7+$0x0], $0xffff;
	_ =	sdelay $0x5  }
0x113: {  	v49 =	vadd.s32 v36, v49  }
0x114: {  	[tilespmem:$0x1B0] =	vst v49  }
0x115: {  	v49 =	vld.idx.msk [tilespmem:v32+s7+$0x0], $0xffff;
	_ =	sdelay $0x5  }
0x116: {  	v49 =	vadd.s32 v37, v49  }
0x117: {  	[tilespmem:$0x1C0] =	vst v49  }
0x118: {  	v49 =	vld.idx.msk [tilespmem:v32+s7+$0x0], $0xffff;
	_ =	sdelay $0x5  }
0x119: {  	v49 =	vadd.s32 v38, v49  }
0x11a: {  	[tilespmem:$0x1D0] =	vst v49  }
0x11b: {  	v49 =	vld.idx.msk [tilespmem:v32+s7+$0x0], $0xffff;
	_ =	sdelay $0x5  }
0x11c: {  	v49 =	vadd.s32 v39, v49  }
0x11d: {  	[tilespmem:$0x1E0] =	vst v49  }
0x11e: {  	v49 =	vld.idx.msk [tilespmem:v32+s7+$0x0], $0xffff;
	_ =	sdelay $0x5  }
0x11f: {  	v49 =	vadd.s32 v40, v49  }
0x120: {  	[tilespmem:$0x1F0] =	vst v49  }
0x121: {  	v49 =	vld.idx.msk [tilespmem:v32+s7+$0x0], $0xffff;
	_ =	sdelay $0x5  }
0x122: {  	v49 =	vadd.s32 v41, v49  }
0x123: {  	[tilespmem:$0x200] =	vst v49  }
0x124: {  	v49 =	vld.idx.msk [tilespmem:v32+s7+$0x0], $0xffff;
	_ =	sdelay $0x5  }
0x125: {  	v49 =	vadd.s32 v42, v49  }
0x126: {  	[tilespmem:$0x210] =	vst v49  }
0x127: {  	v49 =	vld.idx.msk [tilespmem:v32+s7+$0x0], $0xffff;
	_ =	sdelay $0x5  }
0x128: {  	v49 =	vadd.s32 v43, v49  }
0x129: {  	[tilespmem:$0x220] =	vst v49  }
0x12a: {  	v49 =	vld.idx.msk [tilespmem:v32+s7+$0x0], $0xffff;
	_ =	sdelay $0x5  }
0x12b: {  	v49 =	vadd.s32 v44, v49  }
0x12c: {  	[tilespmem:$0x230] =	vst v49  }
0x12d: {  	v49 =	vld.idx.msk [tilespmem:v32+s7+$0x0], $0xffff;
	_ =	sdelay $0x5  }
0x12e: {  	v49 =	vadd.s32 v45, v49  }
0x12f: {  	[tilespmem:$0x240] =	vst v49  }
0x130: {  	v49 =	vld.idx.msk [tilespmem:v32+s7+$0x0], $0xffff;
	_ =	sdelay $0x5  }
0x131: {  	v49 =	vadd.s32 v46, v49  }
0x132: {  	[tilespmem:$0x250] =	vst v49  }
0x133: {  	v49 =	vld.idx.msk [tilespmem:v32+s7+$0x0], $0xffff;
	_ =	sdelay $0x5  }
0x134: {  	v49 =	vadd.s32 v47, v49  }
0x135: {  	[tilespmem:$0x260] =	vst v49  }
0x136: {  	v49 =	vld.idx.msk [tilespmem:v32+s7+$0x0], $0xffff;
	_ =	sdelay $0x5  }
0x137: {  	v49 =	vadd.s32 v48, v49  }
.Ltmp1:
0x138: {  	[tilespmem:$0x270] =	vst v49;
	(pc) =	sbr.rel @p0 .LBB2_1-.Ltmp1, $4  }
0x139: {  	[tilespmem:s8], [sflag:$0x1] =	stream.indirect.gather [hbm4b:s1+s5], $0x80, s9, s5, $0xb8;
	[tilespmem:$0x8280] =	vst v63  }
0x13a: {  	_ = 	snop  }
0x13b: {  	[tilespmem:s13], [sflag:$0x1] =	stream.indirect.gather [hbm4b:s1+s5], $0x80, s12, s5, $0xb8;
	[tilespmem:$0x8280] =	vst v63  }
0x13c: {  	_ =	swait.ge [sflag:s10], $0x4000  }
.LBB2_2:
0x13d: {  	[sflag:s10] =	ssyncset.done $0x0  }
0x13e: {  	[sflag:s10] =	ssyncadd.s32 $0xFFFFC000  }
0x13f: {  	_ =	swait.ge [sflag:s10], $0x4000  }
0x140: {  	[sflag:s10] =	ssyncset.done $0x0  }
0x141: {  	[sflag:s10] =	ssyncadd.s32 $0xFFFFC000  }
0x142: {  	[hbm4b:s11+s2] =	stream.linear.scatter [tilespmem:s8], [sflag:$0x2], $0x8000, $0x38;
	[tilespmem:$0x8280] =	vst v63  }
0x143: {  	_ =	swait.ge [sflag:s3], $0x8000  }
0x144: {  	[sflag:s3] =	ssyncset.done $0x0  }
0x145: {  	[sflag:s3] =	ssyncadd.s32 $0xFFFF8000  }
0x146: {  	_ =	sfence.sel $0x180000  }
0x147: {  	[bflag:$0x0] =	sbarrier.arrive $0xFFFF  }
0x148: {  	p0 =	sne.s32 s6, $0x0;
	_ =	strace $0x90000047  }
0x149: {  	s0 =	sadd.s32 @!p0 $0x100000, s0;
	[bflag:$0x2] =	sbarrier.arrive $0xFFFF  }
0x14a: {  	[sflag:s0] =	ssyncadd.tile.s32 @!p0 $0x1;
	_ =	shalt  }
.Lfunc_end2:
_tile_overlayer_lowered:
.L_overlay_start_2:
0x14b: {  	(tag) =	ssettag $0x2  }
0x14c: {  	s0 =	rddreg [dreg:$0x0];
	s2 =	stileid.u32  }
0x14d: {  	s1 =	rddreg [dreg:$0x1];
	p0 =	sne.s32 s2, $0x0  }
0x14e: {  	s3 =	rddreg [dreg:$0x2];
	[bflag:$0x3] =	sbarrier.arrive $0xFFFF;
	s2 =	simm.s32 @!p0 $0x1C02  }
0x14f: {  	[timem:s3], [sflag:s2] =	dma.local @!p0 [hbm:s0], s1  }
0x150: {  	s0 =	simm.s32 @!p0 $0x2  }
0x151: {  	_ =	swait.ge @!p0 [sflag:s0], s1  }
0x152: {  	s1 =	ssub.s32 @!p0 $0x0, s1;
	[sflag:s0] =	ssyncset.done @!p0 $0x0  }
0x153: {  	[sflag:s0] =	ssyncadd.s32 @!p0 s1  }
0x154: {  	[bflag:$0x3] =	sbarrier.arrive $0xFFFF  }
0x155: {  	_ =	shalt  }

</sc_bundles>
